<compile_context>
chip_gen: v7x
topology: tpu7x:2x2x1
jax: 0.10.2.dev20260603
libtpu: 0.0.44.dev20260713+nightly
codegen_flags: <defaults>
</compile_context>

<pallas_src>
import functools

import jax
import jax.numpy as jnp
from jax import lax
from jax.experimental import pallas as pl
from jax.experimental.pallas import tpu as pltpu
from jax.experimental.pallas import tpu_sc as plsc

N = 10000
E = 320000
IN_C = 128
OUT_C = 16

NC = 2
NS = 16
NW = NC * NS
CH = 128
EPT = 10240
EP = NW * EPT
NJ = EPT // CH
NP = 10112
RPT = NP // NS

def _deg_body(dst_hbm, z16_hbm, out_hbm, idx_v, ones_v, zbuf, acc, sem):
    c = lax.axis_index("c")
    s = lax.axis_index("s")
    wid = s * NC + c
    row = jnp.where(lax.iota(jnp.int32, 16) == 0, 1.0, 0.0)

    def mk(i, carry):
        ones_v[i, :] = row
        return carry

    lax.fori_loop(0, CH, mk, 0)
    pltpu.sync_copy(z16_hbm.at[pl.ds(s * RPT, RPT)], zbuf)
    pltpu.sync_copy(zbuf, acc.at[pl.ds(s * RPT, RPT)])
    pltpu.sync_copy(dst_hbm.at[pl.ds(wid * NJ, NJ)], idx_v)
    plsc.subcore_barrier()

    def body(j, carry):
        pltpu.sync_copy(ones_v, acc.at[idx_v.at[j]], add=True)
        return carry

    lax.fori_loop(0, NJ, body, 0)
    plsc.subcore_barrier()
    pltpu.sync_copy(acc.at[pl.ds(s * RPT, RPT)],
                    out_hbm.at[c, pl.ds(s * RPT, RPT)])


@functools.cache
def _deg_call():
    mesh = plsc.VectorSubcoreMesh(core_axis_name="c", subcore_axis_name="s",
                                  num_cores=NC, num_subcores=NS)
    return pl.kernel(
        _deg_body,
        out_type=jax.ShapeDtypeStruct((NC, NP, 16), jnp.float32),
        mesh=mesh,
        compiler_params=pltpu.CompilerParams(use_tc_tiling_on_sc=False),
        scratch_types=[
            pltpu.VMEM((NJ, CH), jnp.int32),
            pltpu.VMEM((CH, 16), jnp.float32),
            pltpu.VMEM((RPT, 16), jnp.float32),
            pltpu.VMEM_SHARED((NP, 16), jnp.float32),
            pltpu.SemaphoreType.DMA,
        ],
    )


def _prop_body(rows_hbm, six_hbm, dix_hbm, z32_hbm, out_hbm,
               sidx, didx, rb0, rb1, zbuf, acc, tbl, gs0, gs1, ss0, ss1):
    c = lax.axis_index("c")
    s = lax.axis_index("s")
    wid = s * NC + c
    pltpu.sync_copy(six_hbm.at[pl.ds(wid * NJ, NJ)], sidx)
    pltpu.sync_copy(dix_hbm.at[pl.ds(wid * NJ, NJ)], didx)
    rows_slc = pl.ds(s * RPT, RPT)
    pltpu.sync_copy(rows_hbm.at[rows_slc], zbuf)
    pltpu.sync_copy(zbuf, tbl.at[rows_slc])
    pltpu.sync_copy(z32_hbm.at[rows_slc], zbuf)
    pltpu.sync_copy(zbuf, acc.at[rows_slc])
    plsc.subcore_barrier()
    pltpu.async_copy(tbl.at[sidx.at[0]], rb0, gs0)
    pltpu.async_copy(tbl.at[sidx.at[1]], rb1, gs1)

    def body(i, carry):
        j0 = 2 * i
        pltpu.make_async_copy(tbl.at[sidx.at[j0]], rb0, gs0).wait()
        pltpu.async_copy(rb0, acc.at[didx.at[j0]], ss0, add=True)
        pltpu.make_async_copy(tbl.at[sidx.at[j0 + 1]], rb1, gs1).wait()
        pltpu.async_copy(rb1, acc.at[didx.at[j0 + 1]], ss1, add=True)

        @pl.when(i + 1 < NJ // 2)
        def _refill():
            pltpu.make_async_copy(rb0, acc.at[didx.at[j0]], ss0).wait()
            pltpu.async_copy(tbl.at[sidx.at[j0 + 2]], rb0, gs0)
            pltpu.make_async_copy(rb1, acc.at[didx.at[j0 + 1]], ss1).wait()
            pltpu.async_copy(tbl.at[sidx.at[j0 + 3]], rb1, gs1)

        return carry

    lax.fori_loop(0, NJ // 2, body, 0)
    pltpu.make_async_copy(rb0, acc.at[didx.at[NJ - 2]], ss0).wait()
    pltpu.make_async_copy(rb1, acc.at[didx.at[NJ - 1]], ss1).wait()
    plsc.subcore_barrier()
    pltpu.sync_copy(acc.at[rows_slc], out_hbm.at[c, rows_slc])


@functools.cache
def _prop_call():
    mesh = plsc.VectorSubcoreMesh(core_axis_name="c", subcore_axis_name="s",
                                  num_cores=NC, num_subcores=NS)
    return pl.kernel(
        _prop_body,
        out_type=jax.ShapeDtypeStruct((NC, NP, 32), jnp.float32),
        mesh=mesh,
        compiler_params=pltpu.CompilerParams(use_tc_tiling_on_sc=False),
        scratch_types=[
            pltpu.VMEM((NJ, CH), jnp.int32),
            pltpu.VMEM((NJ, CH), jnp.int32),
            pltpu.VMEM((CH, 32), jnp.float32),
            pltpu.VMEM((CH, 32), jnp.float32),
            pltpu.VMEM((RPT, 32), jnp.float32),
            pltpu.VMEM_SHARED((NP, 32), jnp.float32),
            pltpu.VMEM_SHARED((NP, 32), jnp.float32),
            pltpu.SemaphoreType.DMA,
            pltpu.SemaphoreType.DMA,
            pltpu.SemaphoreType.DMA,
            pltpu.SemaphoreType.DMA,
        ],
    )


def _mm1_body(x_ref, w_ref, o_ref):
    o_ref[...] = jnp.dot(x_ref[...], w_ref[...],
                         preferred_element_type=jnp.float32)


def _scale_body(cnt_ref, h0_ref, hs_ref, dinv_ref, idg_ref):
    deg = cnt_ref[0, :, 0:1] + cnt_ref[1, :, 0:1] + 1.0
    dinv = lax.rsqrt(deg)
    dinv_ref[...] = dinv
    idg_ref[...] = 1.0 / deg
    hs_ref[...] = h0_ref[...] * dinv


def _layer1_body(acc_ref, dinv_ref, idg_ref, h0_ref, b1_ref, w23_ref,
                 g_ref, gs_ref):
    ph = dinv_ref[...] * (acc_ref[0] + acc_ref[1]) \
        + h0_ref[...] * idg_ref[...] + b1_ref[...]
    h = jnp.maximum(ph, 0.0)
    g = jnp.dot(h, w23_ref[...], preferred_element_type=jnp.float32)
    g_ref[...] = g
    gs_ref[...] = g * dinv_ref[...]


def _final_body(acc_ref, dinv_ref, idg_ref, g_ref, b23_ref, eps_ref, z_ref):
    pg = dinv_ref[...] * (acc_ref[0] + acc_ref[1]) \
        + g_ref[...] * idg_ref[...] + b23_ref[...]
    mu = pg[:N, :OUT_C]
    ls = jnp.minimum(pg[:N, OUT_C:], 10.0)
    z_ref[...] = mu + eps_ref[...] * jnp.exp(ls)


def kernel(x, edge_index, W1, b1, W2, b2, W3, b3):
    f32 = jnp.float32
    src = edge_index[0]
    dst = edge_index[1]
    pad = EP - E
    src_p = jnp.concatenate([src, jnp.zeros((pad,), jnp.int32)])
    dst_p = jnp.concatenate([dst, jnp.full((pad,), N, jnp.int32)])
    six = src_p.reshape(NW * NJ, CH)
    dix = dst_p.reshape(NW * NJ, CH)
    x_p = jnp.pad(x, ((0, NP - N), (0, 0)))
    z16 = jnp.zeros((NP, 16), f32)
    z32 = jnp.zeros((NP, 32), f32)
    w23 = jnp.concatenate([W2, W3], axis=1)
    b23 = jnp.concatenate([b2, b3]).reshape(1, 32)
    b1r = b1.reshape(1, 32)
    eps = jax.random.normal(jax.random.key(42), (N, OUT_C), dtype=f32)

    counts = _deg_call()(dix, z16)

    h0 = pl.pallas_call(
        _mm1_body,
        out_shape=jax.ShapeDtypeStruct((NP, 32), f32),
    )(x_p, W1)

    hs, dinv, idg = pl.pallas_call(
        _scale_body,
        out_shape=[
            jax.ShapeDtypeStruct((NP, 32), f32),
            jax.ShapeDtypeStruct((NP, 1), f32),
            jax.ShapeDtypeStruct((NP, 1), f32),
        ],
    )(counts, h0)

    acc1 = _prop_call()(hs, six, dix, z32)

    g, gs = pl.pallas_call(
        _layer1_body,
        out_shape=[
            jax.ShapeDtypeStruct((NP, 32), f32),
            jax.ShapeDtypeStruct((NP, 32), f32),
        ],
    )(acc1, dinv, idg, h0, b1r, w23)

    acc2 = _prop_call()(gs, six, dix, z32)

    z = pl.pallas_call(
        _final_body,
        out_shape=jax.ShapeDtypeStruct((N, OUT_C), f32),
    )(acc2, dinv, idg, g, b23, eps)
    return z

# --- scband reference (transcript-rebuilt; emitter-appended) ---
"""Pipeline reference for scband-vgae-64725157150999 (READ-ONLY COPY).

The authoritative reference and input builder live on the scoring server;
editing this copy changes nothing except your own understanding.
"""

import jax, jax.numpy as jnp
import numpy as np

N = 10000
E = 320000
IN_C = 128
OUT_C = 16


def setup_inputs(seed: int = 0) -> dict:
    key = jax.random.key(seed)
    ks = jax.random.split(key, 8)
    x = jax.random.normal(ks[0], (N, IN_C), dtype=jnp.float32)
    edge_index = jax.random.randint(ks[1], (2, E), 0, N, dtype=jnp.int32)
    # GCNConv weights (glorot-ish) for conv1, conv_mu, conv_logstd
    W1 = jax.random.normal(ks[2], (IN_C, 2 * OUT_C), dtype=jnp.float32) * (1.0 / np.sqrt(IN_C))
    b1 = jnp.zeros((2 * OUT_C,), dtype=jnp.float32)
    W2 = jax.random.normal(ks[3], (2 * OUT_C, OUT_C), dtype=jnp.float32) * (1.0 / np.sqrt(2 * OUT_C))
    b2 = jnp.zeros((OUT_C,), dtype=jnp.float32)
    W3 = jax.random.normal(ks[4], (2 * OUT_C, OUT_C), dtype=jnp.float32) * (1.0 / np.sqrt(2 * OUT_C))
    b3 = jnp.zeros((OUT_C,), dtype=jnp.float32)
    return {"x": x, "edge_index": edge_index, "W1": W1, "b1": b1, "W2": W2, "b2": b2, "W3": W3, "b3": b3}


def gcn_conv(x, src, dst, W, b, n):
    # x' = D^{-1/2} (A + I) D^{-1/2} X W + b  (standard GCNConv with self-loops)
    h = x @ W
    loop = jnp.arange(n, dtype=src.dtype)
    src2 = jnp.concatenate([src, loop])
    dst2 = jnp.concatenate([dst, loop])
    ones = jnp.ones(src2.shape[0], dtype=h.dtype)
    deg = jax.ops.segment_sum(ones, dst2, num_segments=n)
    dinv = jnp.where(deg > 0, jax.lax.rsqrt(jnp.maximum(deg, 1e-12)), 0.0)
    norm = dinv[src2] * dinv[dst2]
    msgs = h[src2] * norm[:, None]
    out = jax.ops.segment_sum(msgs, dst2, num_segments=n)
    return out + b


def reference(x, edge_index, W1, b1, W2, b2, W3, b3):
    src = edge_index[0]
    dst = edge_index[1]
    h = jax.nn.relu(gcn_conv(x, src, dst, W1, b1, N))
    mu = gcn_conv(h, src, dst, W2, b2, N)
    logstd = jnp.minimum(gcn_conv(h, src, dst, W3, b3, N), 10.0)
    # training-mode reparametrize with deterministic noise
    eps = jax.random.normal(jax.random.key(42), mu.shape, dtype=jnp.float32)
    z = mu + eps * jnp.exp(logstd)
    return z

if __name__ == "__main__":
    import jax
    _d = setup_inputs()
    print(jax.jit(kernel)(*tuple(_d.values())))

</pallas_src>

<mosaic_0001>
#map = affine_map<(d0, d1) -> (0, 0)>
#map1 = affine_map<(d0, d1) -> (0, 0, 0)>
module attributes {stable_mosaic.version = 14 : i64} {
  func.func @_deg_body(%arg0: i32, %arg1: i32, %arg2: memref<2560x128xi32, #tpu.memory_space<hbm>>, %arg3: memref<10112x16xf32, #tpu.memory_space<hbm>>, %arg4: memref<2x10112x16xf32, #tpu.memory_space<hbm>>, %arg5: memref<80x128xi32, #tpu.memory_space<vmem>>, %arg6: memref<128x16xf32, #tpu.memory_space<vmem>>, %arg7: memref<632x16xf32, #tpu.memory_space<vmem>>, %arg8: memref<10112x16xf32, #tpu.memory_space<vmem_shared>>, %arg9: memref<!tpu.dma_semaphore, #tpu.memory_space<semaphore_mem>>) attributes {dimension_semantics = [#tpu.dimension_semantics<core_parallel>, #tpu.dimension_semantics<subcore_parallel>], iteration_bounds = array<i64: 2, 16>, scalar_prefetch = 0 : i64, scratch_operands = 5 : i64, tpu.core_type = #tpu.core_type<sc_vector_subcore>, window_params = [{transform_indices = #map}, {transform_indices = #map}, {transform_indices = #map1}]} {
    %mul3A = arith.constant 2 : i32
    %mul3A_0 = arith.muli %arg1, %mul3A : i32
    %add3A = arith.addi %mul3A_0, %arg0 : i32
    %iota3A = tpu.iota {dimensions = array<i32: 0>} : vector<16xi32>
    %eq3A = arith.constant 0 : i32
    %eq3A_1 = vector.broadcast %eq3A : i32 to vector<16xi32>
    %eq3A_2 = arith.cmpi eq, %iota3A, %eq3A_1 : vector<16xi32>
    %jit3A = arith.constant 1.000000e+00 : f32
    %jit3A_3 = arith.constant 0.000000e+00 : f32
    %broadcast_in_dim3A = vector.broadcast %jit3A : f32 to vector<16xf32>
    %broadcast_in_dim3A_4 = vector.broadcast %jit3A_3 : f32 to vector<16xf32>
    %select_n3A = arith.select %eq3A_2, %broadcast_in_dim3A, %broadcast_in_dim3A_4 : vector<16xi1>, vector<16xf32>
    %scan3A = arith.constant 0 : i32
    %scan3A_5 = arith.constant 0 : i32
    %scan3A_6 = arith.constant 128 : i32
    %scan3A_7 = arith.addi %scan3A_5, %scan3A_6 : i32
    %scan3A_8 = arith.constant 1 : i32
    scf.for %scan3A_27 = %scan3A_5 to %scan3A_7 step %scan3A_8  : i32 {
      %swap3A = arith.index_cast %scan3A_27 : i32 to index
      %swap3A_28 = arith.constant 0 : index
      %swap3A_29 = tpu.vector_load %arg6[%swap3A, %swap3A_28] {strides = array<i32>} : memref<128x16xf32, #tpu.memory_space<vmem>>, vector<1x16xf32>,
      %swap3A_30 = vector.shape_cast %swap3A_29 : vector<1x16xf32> to vector<16xf32>
      %swap3A_31 = vector.shape_cast %select_n3A : vector<16xf32> to vector<1x16xf32>
      tpu.vector_store %arg6[%swap3A, %swap3A_28], %swap3A_31 {strides = array<i32>} : memref<128x16xf32, #tpu.memory_space<vmem>>, vector<1x16xf32>,
    }
    %scan3A_9 = arith.constant 128 : i32
    %mul3A_10 = arith.constant 632 : i32
    %mul3A_11 = arith.muli %arg1, %mul3A_10 : i32
    "tpu.region"() ({
      %run_scoped3A = tpu.sem_alloc : memref<!tpu.dma_semaphore, #tpu.memory_space<semaphore_mem>>
      %dma_start3A = arith.constant 0 : i32
      %dma_start3A_27 = tpu.memref_slice %arg3[%mul3A_11, %dma_start3A] : memref<10112x16xf32, #tpu.memory_space<hbm>> -> memref<632x16xf32, #tpu.memory_space<hbm>>
      %dma_start3A_28 = arith.constant 0 : i32
      %dma_start3A_29 = tpu.memref_slice %arg3[%mul3A_11, %dma_start3A_28] : memref<10112x16xf32, #tpu.memory_space<hbm>> -> memref<632x16xf32, #tpu.memory_space<hbm>>
      tpu.enqueue_dma source(%dma_start3A_29 : memref<632x16xf32, #tpu.memory_space<hbm>>) target(%arg7 : memref<632x16xf32, #tpu.memory_space<vmem>>) target_semaphore(%run_scoped3A : memref<!tpu.dma_semaphore, #tpu.memory_space<semaphore_mem>>)
      %dma_wait3A = arith.constant 0 : i32
      %dma_wait3A_30 = tpu.memref_slice %arg3[%mul3A_11, %dma_wait3A] : memref<10112x16xf32, #tpu.memory_space<hbm>> -> memref<632x16xf32, #tpu.memory_space<hbm>>
      %dma_wait3A_31 = arith.constant 0 : i32
      %dma_wait3A_32 = tpu.memref_slice %arg3[%mul3A_11, %dma_wait3A_31] : memref<10112x16xf32, #tpu.memory_space<hbm>> -> memref<632x16xf32, #tpu.memory_space<hbm>>
      tpu.wait_dma2 semaphore(%run_scoped3A : memref<!tpu.dma_semaphore, #tpu.memory_space<semaphore_mem>>) src(%dma_wait3A_32 : memref<632x16xf32, #tpu.memory_space<hbm>>) dst(%arg7 : memref<632x16xf32, #tpu.memory_space<vmem>>)
      tpu.yield
    }) : () -> ()
    %mul3A_12 = arith.constant 632 : i32
    %mul3A_13 = arith.muli %arg1, %mul3A_12 : i32
    "tpu.region"() ({
      %run_scoped3A = tpu.sem_alloc : memref<!tpu.dma_semaphore, #tpu.memory_space<semaphore_mem>>
      %dma_start3A = arith.constant 0 : i32
      %dma_start3A_27 = tpu.memref_slice %arg8[%mul3A_13, %dma_start3A] : memref<10112x16xf32, #tpu.memory_space<vmem_shared>> -> memref<632x16xf32, #tpu.memory_space<vmem_shared>>
      %dma_start3A_28 = arith.constant 0 : i32
      %dma_start3A_29 = tpu.memref_slice %arg8[%mul3A_13, %dma_start3A_28] : memref<10112x16xf32, #tpu.memory_space<vmem_shared>> -> memref<632x16xf32, #tpu.memory_space<vmem_shared>>
      tpu.enqueue_dma source(%arg7 : memref<632x16xf32, #tpu.memory_space<vmem>>) target(%dma_start3A_29 : memref<632x16xf32, #tpu.memory_space<vmem_shared>>) target_semaphore(%run_scoped3A : memref<!tpu.dma_semaphore, #tpu.memory_space<semaphore_mem>>)
      %dma_wait3A = arith.constant 0 : i32
      %dma_wait3A_30 = tpu.memref_slice %arg8[%mul3A_13, %dma_wait3A] : memref<10112x16xf32, #tpu.memory_space<vmem_shared>> -> memref<632x16xf32, #tpu.memory_space<vmem_shared>>
      %dma_wait3A_31 = arith.constant 0 : i32
      %dma_wait3A_32 = tpu.memref_slice %arg8[%mul3A_13, %dma_wait3A_31] : memref<10112x16xf32, #tpu.memory_space<vmem_shared>> -> memref<632x16xf32, #tpu.memory_space<vmem_shared>>
      tpu.wait_dma2 semaphore(%run_scoped3A : memref<!tpu.dma_semaphore, #tpu.memory_space<semaphore_mem>>) src(%arg7 : memref<632x16xf32, #tpu.memory_space<vmem>>) dst(%dma_wait3A_32 : memref<632x16xf32, #tpu.memory_space<vmem_shared>>)
      tpu.yield
    }) : () -> ()
    %mul3A_14 = arith.constant 80 : i32
    %mul3A_15 = arith.muli %add3A, %mul3A_14 : i32
    "tpu.region"() ({
      %run_scoped3A = tpu.sem_alloc : memref<!tpu.dma_semaphore, #tpu.memory_space<semaphore_mem>>
      %dma_start3A = arith.constant 0 : i32
      %dma_start3A_27 = tpu.memref_slice %arg2[%mul3A_15, %dma_start3A] : memref<2560x128xi32, #tpu.memory_space<hbm>> -> memref<80x128xi32, #tpu.memory_space<hbm>>
      %dma_start3A_28 = arith.constant 0 : i32
      %dma_start3A_29 = tpu.memref_slice %arg2[%mul3A_15, %dma_start3A_28] : memref<2560x128xi32, #tpu.memory_space<hbm>> -> memref<80x128xi32, #tpu.memory_space<hbm>>
      tpu.enqueue_dma source(%dma_start3A_29 : memref<80x128xi32, #tpu.memory_space<hbm>>) target(%arg5 : memref<80x128xi32, #tpu.memory_space<vmem>>) target_semaphore(%run_scoped3A : memref<!tpu.dma_semaphore, #tpu.memory_space<semaphore_mem>>)
      %dma_wait3A = arith.constant 0 : i32
      %dma_wait3A_30 = tpu.memref_slice %arg2[%mul3A_15, %dma_wait3A] : memref<2560x128xi32, #tpu.memory_space<hbm>> -> memref<80x128xi32, #tpu.memory_space<hbm>>
      %dma_wait3A_31 = arith.constant 0 : i32
      %dma_wait3A_32 = tpu.memref_slice %arg2[%mul3A_15, %dma_wait3A_31] : memref<2560x128xi32, #tpu.memory_space<hbm>> -> memref<80x128xi32, #tpu.memory_space<hbm>>
      tpu.wait_dma2 semaphore(%run_scoped3A : memref<!tpu.dma_semaphore, #tpu.memory_space<semaphore_mem>>) src(%dma_wait3A_32 : memref<80x128xi32, #tpu.memory_space<hbm>>) dst(%arg5 : memref<80x128xi32, #tpu.memory_space<vmem>>)
      tpu.yield
    }) : () -> ()
    %barrier3A = arith.constant 0 : index
    tpu.barrier barrier_id(%barrier3A)
    %scan3A_16 = arith.constant 0 : i32
    %scan3A_17 = arith.constant 0 : i32
    %scan3A_18 = arith.constant 80 : i32
    %scan3A_19 = arith.addi %scan3A_17, %scan3A_18 : i32
    %scan3A_20 = arith.constant 1 : i32
    scf.for %scan3A_27 = %scan3A_17 to %scan3A_19 step %scan3A_20  : i32 {
      "tpu.region"() ({
        %run_scoped3A = tpu.sem_alloc : memref<!tpu.dma_semaphore, #tpu.memory_space<semaphore_mem>>
        %dma_start3A = arith.constant 0 : i32
        %dma_start3A_28 = tpu.memref_slice %arg5[%scan3A_27, %dma_start3A] : memref<80x128xi32, #tpu.memory_space<vmem>> -> memref<1x128xi32, #tpu.memory_space<vmem>>
        %dma_start3A_29 = tpu.memref_squeeze %dma_start3A_28 : memref<1x128xi32, #tpu.memory_space<vmem>> -> memref<128xi32, #tpu.memory_space<vmem>>
        %dma_start3A_30 = arith.constant 0 : i32
        %dma_start3A_31 = arith.constant 0 : i32
        %dma_start3A_32 = tpu.memref_slice %arg8[%dma_start3A_30, %dma_start3A_31] : memref<10112x16xf32, #tpu.memory_space<vmem_shared>> -> memref<10112x16xf32, #tpu.memory_space<vmem_shared>>
        tpu.enqueue_indirect_dma source(%arg6 : memref<128x16xf32, #tpu.memory_space<vmem>>) target(%dma_start3A_32 : memref<10112x16xf32, #tpu.memory_space<vmem_shared>>) offsets(%dma_start3A_29 : memref<128xi32, #tpu.memory_space<vmem>>) semaphore(%run_scoped3A : memref<!tpu.dma_semaphore, #tpu.memory_space<semaphore_mem>>) {add = true}
        %dma_wait3A = arith.constant 0 : i32
        %dma_wait3A_33 = tpu.memref_slice %arg5[%scan3A_27, %dma_wait3A] : memref<80x128xi32, #tpu.memory_space<vmem>> -> memref<1x128xi32, #tpu.memory_space<vmem>>
        %dma_wait3A_34 = tpu.memref_squeeze %dma_wait3A_33 : memref<1x128xi32, #tpu.memory_space<vmem>> -> memref<128xi32, #tpu.memory_space<vmem>>
        %dma_wait3A_35 = arith.constant 0 : i32
        %dma_wait3A_36 = arith.constant 0 : i32
        %dma_wait3A_37 = tpu.memref_slice %arg8[%dma_wait3A_35, %dma_wait3A_36] : memref<10112x16xf32, #tpu.memory_space<vmem_shared>> -> memref<10112x16xf32, #tpu.memory_space<vmem_shared>>
        tpu.wait_indirect_dma semaphore(%run_scoped3A : memref<!tpu.dma_semaphore, #tpu.memory_space<semaphore_mem>>) src(%arg6 : memref<128x16xf32, #tpu.memory_space<vmem>>) dst(%dma_wait3A_37 : memref<10112x16xf32, #tpu.memory_space<vmem_shared>>)
        tpu.yield
      }) : () -> ()
    }
    %scan3A_21 = arith.constant 80 : i32
    %barrier3A_22 = arith.constant 0 : index
    tpu.barrier barrier_id(%barrier3A_22)
    %mul3A_23 = arith.constant 632 : i32
    %mul3A_24 = arith.muli %arg1, %mul3A_23 : i32
    %mul3A_25 = arith.constant 632 : i32
    %mul3A_26 = arith.muli %arg1, %mul3A_25 : i32
    "tpu.region"() ({
      %run_scoped3A = tpu.sem_alloc : memref<!tpu.dma_semaphore, #tpu.memory_space<semaphore_mem>>
      %dma_start3A = arith.constant 0 : i32
      %dma_start3A_27 = tpu.memref_slice %arg4[%arg0, %mul3A_26, %dma_start3A] : memref<2x10112x16xf32, #tpu.memory_space<hbm>> -> memref<1x632x16xf32, #tpu.memory_space<hbm>>
      %dma_start3A_28 = tpu.memref_squeeze %dma_start3A_27 : memref<1x632x16xf32, #tpu.memory_space<hbm>> -> memref<632x16xf32, #tpu.memory_space<hbm>>
      %dma_start3A_29 = arith.constant 0 : i32
      %dma_start3A_30 = tpu.memref_slice %arg8[%mul3A_24, %dma_start3A_29] : memref<10112x16xf32, #tpu.memory_space<vmem_shared>> -> memref<632x16xf32, #tpu.memory_space<vmem_shared>>
      tpu.enqueue_dma source(%dma_start3A_30 : memref<632x16xf32, #tpu.memory_space<vmem_shared>>) target(%dma_start3A_28 : memref<632x16xf32, #tpu.memory_space<hbm>>) target_semaphore(%run_scoped3A : memref<!tpu.dma_semaphore, #tpu.memory_space<semaphore_mem>>)
      %dma_wait3A = arith.constant 0 : i32
      %dma_wait3A_31 = tpu.memref_slice %arg4[%arg0, %mul3A_26, %dma_wait3A] : memref<2x10112x16xf32, #tpu.memory_space<hbm>> -> memref<1x632x16xf32, #tpu.memory_space<hbm>>
      %dma_wait3A_32 = tpu.memref_squeeze %dma_wait3A_31 : memref<1x632x16xf32, #tpu.memory_space<hbm>> -> memref<632x16xf32, #tpu.memory_space<hbm>>
      %dma_wait3A_33 = arith.constant 0 : i32
      %dma_wait3A_34 = tpu.memref_slice %arg8[%mul3A_24, %dma_wait3A_33] : memref<10112x16xf32, #tpu.memory_space<vmem_shared>> -> memref<632x16xf32, #tpu.memory_space<vmem_shared>>
      tpu.wait_dma2 semaphore(%run_scoped3A : memref<!tpu.dma_semaphore, #tpu.memory_space<semaphore_mem>>) src(%dma_wait3A_34 : memref<632x16xf32, #tpu.memory_space<vmem_shared>>) dst(%dma_wait3A_32 : memref<632x16xf32, #tpu.memory_space<hbm>>)
      tpu.yield
    }) : () -> ()
    return
  }
}

#map = affine_map<(d0, d1) -> (0, 0)>
#map1 = affine_map<(d0, d1) -> (0, 0, 0)>
module attributes {stable_mosaic.version = 14 : i64} {
  func.func @_prop_body(%arg0: i32, %arg1: i32, %arg2: memref<10112x32xf32, #tpu.memory_space<hbm>>, %arg3: memref<2560x128xi32, #tpu.memory_space<hbm>>, %arg4: memref<2560x128xi32, #tpu.memory_space<hbm>>, %arg5: memref<10112x32xf32, #tpu.memory_space<hbm>>, %arg6: memref<2x10112x32xf32, #tpu.memory_space<hbm>>, %arg7: memref<80x128xi32, #tpu.memory_space<vmem>>, %arg8: memref<80x128xi32, #tpu.memory_space<vmem>>, %arg9: memref<128x32xf32, #tpu.memory_space<vmem>>, %arg10: memref<128x32xf32, #tpu.memory_space<vmem>>, %arg11: memref<632x32xf32, #tpu.memory_space<vmem>>, %arg12: memref<10112x32xf32, #tpu.memory_space<vmem_shared>>, %arg13: memref<10112x32xf32, #tpu.memory_space<vmem_shared>>, %arg14: memref<!tpu.dma_semaphore, #tpu.memory_space<semaphore_mem>>, %arg15: memref<!tpu.dma_semaphore, #tpu.memory_space<semaphore_mem>>, %arg16: memref<!tpu.dma_semaphore, #tpu.memory_space<semaphore_mem>>, %arg17: memref<!tpu.dma_semaphore, #tpu.memory_space<semaphore_mem>>) attributes {dimension_semantics = [#tpu.dimension_semantics<core_parallel>, #tpu.dimension_semantics<subcore_parallel>], iteration_bounds = array<i64: 2, 16>, scalar_prefetch = 0 : i64, scratch_operands = 11 : i64, tpu.core_type = #tpu.core_type<sc_vector_subcore>, window_params = [{transform_indices = #map}, {transform_indices = #map}, {transform_indices = #map}, {transform_indices = #map}, {transform_indices = #map1}]} {
    %mul3A = arith.constant 2 : i32
    %mul3A_0 = arith.muli %arg1, %mul3A : i32
    %add3A = arith.addi %mul3A_0, %arg0 : i32
    %mul3A_1 = arith.constant 80 : i32
    %mul3A_2 = arith.muli %add3A, %mul3A_1 : i32
    "tpu.region"() ({
      %run_scoped3A = tpu.sem_alloc : memref<!tpu.dma_semaphore, #tpu.memory_space<semaphore_mem>>
      %dma_start3A_39 = arith.constant 0 : i32
      %dma_start3A_40 = tpu.memref_slice %arg3[%mul3A_2, %dma_start3A_39] : memref<2560x128xi32, #tpu.memory_space<hbm>> -> memref<80x128xi32, #tpu.memory_space<hbm>>
      %dma_start3A_41 = arith.constant 0 : i32
      %dma_start3A_42 = tpu.memref_slice %arg3[%mul3A_2, %dma_start3A_41] : memref<2560x128xi32, #tpu.memory_space<hbm>> -> memref<80x128xi32, #tpu.memory_space<hbm>>
      tpu.enqueue_dma source(%dma_start3A_42 : memref<80x128xi32, #tpu.memory_space<hbm>>) target(%arg7 : memref<80x128xi32, #tpu.memory_space<vmem>>) target_semaphore(%run_scoped3A : memref<!tpu.dma_semaphore, #tpu.memory_space<semaphore_mem>>)
      %dma_wait3A_43 = arith.constant 0 : i32
      %dma_wait3A_44 = tpu.memref_slice %arg3[%mul3A_2, %dma_wait3A_43] : memref<2560x128xi32, #tpu.memory_space<hbm>> -> memref<80x128xi32, #tpu.memory_space<hbm>>
      %dma_wait3A_45 = arith.constant 0 : i32
      %dma_wait3A_46 = tpu.memref_slice %arg3[%mul3A_2, %dma_wait3A_45] : memref<2560x128xi32, #tpu.memory_space<hbm>> -> memref<80x128xi32, #tpu.memory_space<hbm>>
      tpu.wait_dma2 semaphore(%run_scoped3A : memref<!tpu.dma_semaphore, #tpu.memory_space<semaphore_mem>>) src(%dma_wait3A_46 : memref<80x128xi32, #tpu.memory_space<hbm>>) dst(%arg7 : memref<80x128xi32, #tpu.memory_space<vmem>>)
      tpu.yield
    }) : () -> ()
    %mul3A_3 = arith.constant 80 : i32
    %mul3A_4 = arith.muli %add3A, %mul3A_3 : i32
    "tpu.region"() ({
      %run_scoped3A = tpu.sem_alloc : memref<!tpu.dma_semaphore, #tpu.memory_space<semaphore_mem>>
      %dma_start3A_39 = arith.constant 0 : i32
      %dma_start3A_40 = tpu.memref_slice %arg4[%mul3A_4, %dma_start3A_39] : memref<2560x128xi32, #tpu.memory_space<hbm>> -> memref<80x128xi32, #tpu.memory_space<hbm>>
      %dma_start3A_41 = arith.constant 0 : i32
      %dma_start3A_42 = tpu.memref_slice %arg4[%mul3A_4, %dma_start3A_41] : memref<2560x128xi32, #tpu.memory_space<hbm>> -> memref<80x128xi32, #tpu.memory_space<hbm>>
      tpu.enqueue_dma source(%dma_start3A_42 : memref<80x128xi32, #tpu.memory_space<hbm>>) target(%arg8 : memref<80x128xi32, #tpu.memory_space<vmem>>) target_semaphore(%run_scoped3A : memref<!tpu.dma_semaphore, #tpu.memory_space<semaphore_mem>>)
      %dma_wait3A_43 = arith.constant 0 : i32
      %dma_wait3A_44 = tpu.memref_slice %arg4[%mul3A_4, %dma_wait3A_43] : memref<2560x128xi32, #tpu.memory_space<hbm>> -> memref<80x128xi32, #tpu.memory_space<hbm>>
      %dma_wait3A_45 = arith.constant 0 : i32
      %dma_wait3A_46 = tpu.memref_slice %arg4[%mul3A_4, %dma_wait3A_45] : memref<2560x128xi32, #tpu.memory_space<hbm>> -> memref<80x128xi32, #tpu.memory_space<hbm>>
      tpu.wait_dma2 semaphore(%run_scoped3A : memref<!tpu.dma_semaphore, #tpu.memory_space<semaphore_mem>>) src(%dma_wait3A_46 : memref<80x128xi32, #tpu.memory_space<hbm>>) dst(%arg8 : memref<80x128xi32, #tpu.memory_space<vmem>>)
      tpu.yield
    }) : () -> ()
    %mul3A_5 = arith.constant 632 : i32
    %mul3A_6 = arith.muli %arg1, %mul3A_5 : i32
    "tpu.region"() ({
      %run_scoped3A = tpu.sem_alloc : memref<!tpu.dma_semaphore, #tpu.memory_space<semaphore_mem>>
      %dma_start3A_39 = arith.constant 0 : i32
      %dma_start3A_40 = tpu.memref_slice %arg2[%mul3A_6, %dma_start3A_39] : memref<10112x32xf32, #tpu.memory_space<hbm>> -> memref<632x32xf32, #tpu.memory_space<hbm>>
      %dma_start3A_41 = arith.constant 0 : i32
      %dma_start3A_42 = tpu.memref_slice %arg2[%mul3A_6, %dma_start3A_41] : memref<10112x32xf32, #tpu.memory_space<hbm>> -> memref<632x32xf32, #tpu.memory_space<hbm>>
      tpu.enqueue_dma source(%dma_start3A_42 : memref<632x32xf32, #tpu.memory_space<hbm>>) target(%arg11 : memref<632x32xf32, #tpu.memory_space<vmem>>) target_semaphore(%run_scoped3A : memref<!tpu.dma_semaphore, #tpu.memory_space<semaphore_mem>>)
      %dma_wait3A_43 = arith.constant 0 : i32
      %dma_wait3A_44 = tpu.memref_slice %arg2[%mul3A_6, %dma_wait3A_43] : memref<10112x32xf32, #tpu.memory_space<hbm>> -> memref<632x32xf32, #tpu.memory_space<hbm>>
      %dma_wait3A_45 = arith.constant 0 : i32
      %dma_wait3A_46 = tpu.memref_slice %arg2[%mul3A_6, %dma_wait3A_45] : memref<10112x32xf32, #tpu.memory_space<hbm>> -> memref<632x32xf32, #tpu.memory_space<hbm>>
      tpu.wait_dma2 semaphore(%run_scoped3A : memref<!tpu.dma_semaphore, #tpu.memory_space<semaphore_mem>>) src(%dma_wait3A_46 : memref<632x32xf32, #tpu.memory_space<hbm>>) dst(%arg11 : memref<632x32xf32, #tpu.memory_space<vmem>>)
      tpu.yield
    }) : () -> ()
    "tpu.region"() ({
      %run_scoped3A = tpu.sem_alloc : memref<!tpu.dma_semaphore, #tpu.memory_space<semaphore_mem>>
      %dma_start3A_39 = arith.constant 0 : i32
      %dma_start3A_40 = tpu.memref_slice %arg13[%mul3A_6, %dma_start3A_39] : memref<10112x32xf32, #tpu.memory_space<vmem_shared>> -> memref<632x32xf32, #tpu.memory_space<vmem_shared>>
      %dma_start3A_41 = arith.constant 0 : i32
      %dma_start3A_42 = tpu.memref_slice %arg13[%mul3A_6, %dma_start3A_41] : memref<10112x32xf32, #tpu.memory_space<vmem_shared>> -> memref<632x32xf32, #tpu.memory_space<vmem_shared>>
      tpu.enqueue_dma source(%arg11 : memref<632x32xf32, #tpu.memory_space<vmem>>) target(%dma_start3A_42 : memref<632x32xf32, #tpu.memory_space<vmem_shared>>) target_semaphore(%run_scoped3A : memref<!tpu.dma_semaphore, #tpu.memory_space<semaphore_mem>>)
      %dma_wait3A_43 = arith.constant 0 : i32
      %dma_wait3A_44 = tpu.memref_slice %arg13[%mul3A_6, %dma_wait3A_43] : memref<10112x32xf32, #tpu.memory_space<vmem_shared>> -> memref<632x32xf32, #tpu.memory_space<vmem_shared>>
      %dma_wait3A_45 = arith.constant 0 : i32
      %dma_wait3A_46 = tpu.memref_slice %arg13[%mul3A_6, %dma_wait3A_45] : memref<10112x32xf32, #tpu.memory_space<vmem_shared>> -> memref<632x32xf32, #tpu.memory_space<vmem_shared>>
      tpu.wait_dma2 semaphore(%run_scoped3A : memref<!tpu.dma_semaphore, #tpu.memory_space<semaphore_mem>>) src(%arg11 : memref<632x32xf32, #tpu.memory_space<vmem>>) dst(%dma_wait3A_46 : memref<632x32xf32, #tpu.memory_space<vmem_shared>>)
      tpu.yield
    }) : () -> ()
    "tpu.region"() ({
      %run_scoped3A = tpu.sem_alloc : memref<!tpu.dma_semaphore, #tpu.memory_space<semaphore_mem>>
      %dma_start3A_39 = arith.constant 0 : i32
      %dma_start3A_40 = tpu.memref_slice %arg5[%mul3A_6, %dma_start3A_39] : memref<10112x32xf32, #tpu.memory_space<hbm>> -> memref<632x32xf32, #tpu.memory_space<hbm>>
      %dma_start3A_41 = arith.constant 0 : i32
      %dma_start3A_42 = tpu.memref_slice %arg5[%mul3A_6, %dma_start3A_41] : memref<10112x32xf32, #tpu.memory_space<hbm>> -> memref<632x32xf32, #tpu.memory_space<hbm>>
      tpu.enqueue_dma source(%dma_start3A_42 : memref<632x32xf32, #tpu.memory_space<hbm>>) target(%arg11 : memref<632x32xf32, #tpu.memory_space<vmem>>) target_semaphore(%run_scoped3A : memref<!tpu.dma_semaphore, #tpu.memory_space<semaphore_mem>>)
      %dma_wait3A_43 = arith.constant 0 : i32
      %dma_wait3A_44 = tpu.memref_slice %arg5[%mul3A_6, %dma_wait3A_43] : memref<10112x32xf32, #tpu.memory_space<hbm>> -> memref<632x32xf32, #tpu.memory_space<hbm>>
      %dma_wait3A_45 = arith.constant 0 : i32
      %dma_wait3A_46 = tpu.memref_slice %arg5[%mul3A_6, %dma_wait3A_45] : memref<10112x32xf32, #tpu.memory_space<hbm>> -> memref<632x32xf32, #tpu.memory_space<hbm>>
      tpu.wait_dma2 semaphore(%run_scoped3A : memref<!tpu.dma_semaphore, #tpu.memory_space<semaphore_mem>>) src(%dma_wait3A_46 : memref<632x32xf32, #tpu.memory_space<hbm>>) dst(%arg11 : memref<632x32xf32, #tpu.memory_space<vmem>>)
      tpu.yield
    }) : () -> ()
    "tpu.region"() ({
      %run_scoped3A = tpu.sem_alloc : memref<!tpu.dma_semaphore, #tpu.memory_space<semaphore_mem>>
      %dma_start3A_39 = arith.constant 0 : i32
      %dma_start3A_40 = tpu.memref_slice %arg12[%mul3A_6, %dma_start3A_39] : memref<10112x32xf32, #tpu.memory_space<vmem_shared>> -> memref<632x32xf32, #tpu.memory_space<vmem_shared>>
      %dma_start3A_41 = arith.constant 0 : i32
      %dma_start3A_42 = tpu.memref_slice %arg12[%mul3A_6, %dma_start3A_41] : memref<10112x32xf32, #tpu.memory_space<vmem_shared>> -> memref<632x32xf32, #tpu.memory_space<vmem_shared>>
      tpu.enqueue_dma source(%arg11 : memref<632x32xf32, #tpu.memory_space<vmem>>) target(%dma_start3A_42 : memref<632x32xf32, #tpu.memory_space<vmem_shared>>) target_semaphore(%run_scoped3A : memref<!tpu.dma_semaphore, #tpu.memory_space<semaphore_mem>>)
      %dma_wait3A_43 = arith.constant 0 : i32
      %dma_wait3A_44 = tpu.memref_slice %arg12[%mul3A_6, %dma_wait3A_43] : memref<10112x32xf32, #tpu.memory_space<vmem_shared>> -> memref<632x32xf32, #tpu.memory_space<vmem_shared>>
      %dma_wait3A_45 = arith.constant 0 : i32
      %dma_wait3A_46 = tpu.memref_slice %arg12[%mul3A_6, %dma_wait3A_45] : memref<10112x32xf32, #tpu.memory_space<vmem_shared>> -> memref<632x32xf32, #tpu.memory_space<vmem_shared>>
      tpu.wait_dma2 semaphore(%run_scoped3A : memref<!tpu.dma_semaphore, #tpu.memory_space<semaphore_mem>>) src(%arg11 : memref<632x32xf32, #tpu.memory_space<vmem>>) dst(%dma_wait3A_46 : memref<632x32xf32, #tpu.memory_space<vmem_shared>>)
      tpu.yield
    }) : () -> ()
    %barrier3A = arith.constant 0 : index
    tpu.barrier barrier_id(%barrier3A)
    %dma_start3A = arith.constant 0 : i32
    %dma_start3A_7 = arith.constant 0 : i32
    %dma_start3A_8 = tpu.memref_slice %arg7[%dma_start3A, %dma_start3A_7] : memref<80x128xi32, #tpu.memory_space<vmem>> -> memref<1x128xi32, #tpu.memory_space<vmem>>
    %dma_start3A_9 = tpu.memref_squeeze %dma_start3A_8 : memref<1x128xi32, #tpu.memory_space<vmem>> -> memref<128xi32, #tpu.memory_space<vmem>>
    %dma_start3A_10 = arith.constant 0 : i32
    %dma_start3A_11 = arith.constant 0 : i32
    %dma_start3A_12 = tpu.memref_slice %arg13[%dma_start3A_10, %dma_start3A_11] : memref<10112x32xf32, #tpu.memory_space<vmem_shared>> -> memref<10112x32xf32, #tpu.memory_space<vmem_shared>>
    tpu.enqueue_indirect_dma source(%dma_start3A_12 : memref<10112x32xf32, #tpu.memory_space<vmem_shared>>) target(%arg9 : memref<128x32xf32, #tpu.memory_space<vmem>>) offsets(%dma_start3A_9 : memref<128xi32, #tpu.memory_space<vmem>>) semaphore(%arg14 : memref<!tpu.dma_semaphore, #tpu.memory_space<semaphore_mem>>)
    %dma_start3A_13 = arith.constant 1 : i32
    %dma_start3A_14 = arith.constant 0 : i32
    %dma_start3A_15 = tpu.memref_slice %arg7[%dma_start3A_13, %dma_start3A_14] : memref<80x128xi32, #tpu.memory_space<vmem>> -> memref<1x128xi32, #tpu.memory_space<vmem>>
    %dma_start3A_16 = tpu.memref_squeeze %dma_start3A_15 : memref<1x128xi32, #tpu.memory_space<vmem>> -> memref<128xi32, #tpu.memory_space<vmem>>
    %dma_start3A_17 = arith.constant 0 : i32
    %dma_start3A_18 = arith.constant 0 : i32
    %dma_start3A_19 = tpu.memref_slice %arg13[%dma_start3A_17, %dma_start3A_18] : memref<10112x32xf32, #tpu.memory_space<vmem_shared>> -> memref<10112x32xf32, #tpu.memory_space<vmem_shared>>
    tpu.enqueue_indirect_dma source(%dma_start3A_19 : memref<10112x32xf32, #tpu.memory_space<vmem_shared>>) target(%arg10 : memref<128x32xf32, #tpu.memory_space<vmem>>) offsets(%dma_start3A_16 : memref<128xi32, #tpu.memory_space<vmem>>) semaphore(%arg15 : memref<!tpu.dma_semaphore, #tpu.memory_space<semaphore_mem>>)
    %scan3A = arith.constant 0 : i32
    %scan3A_20 = arith.constant 0 : i32
    %scan3A_21 = arith.constant 40 : i32
    %scan3A_22 = arith.addi %scan3A_20, %scan3A_21 : i32
    %scan3A_23 = arith.constant 1 : i32
    scf.for %scan3A_39 = %scan3A_20 to %scan3A_22 step %scan3A_23  : i32 {
      %mul3A_40 = arith.constant 2 : i32
      %mul3A_41 = arith.muli %mul3A_40, %scan3A_39 : i32
      %dma_wait3A_42 = arith.constant 0 : i32
      %dma_wait3A_43 = tpu.memref_slice %arg7[%mul3A_41, %dma_wait3A_42] : memref<80x128xi32, #tpu.memory_space<vmem>> -> memref<1x128xi32, #tpu.memory_space<vmem>>
      %dma_wait3A_44 = tpu.memref_squeeze %dma_wait3A_43 : memref<1x128xi32, #tpu.memory_space<vmem>> -> memref<128xi32, #tpu.memory_space<vmem>>
      %dma_wait3A_45 = arith.constant 0 : i32
      %dma_wait3A_46 = arith.constant 0 : i32
      %dma_wait3A_47 = tpu.memref_slice %arg13[%dma_wait3A_45, %dma_wait3A_46] : memref<10112x32xf32, #tpu.memory_space<vmem_shared>> -> memref<10112x32xf32, #tpu.memory_space<vmem_shared>>
      tpu.wait_indirect_dma semaphore(%arg14 : memref<!tpu.dma_semaphore, #tpu.memory_space<semaphore_mem>>) src(%dma_wait3A_47 : memref<10112x32xf32, #tpu.memory_space<vmem_shared>>) dst(%arg9 : memref<128x32xf32, #tpu.memory_space<vmem>>)
      %dma_start3A_48 = arith.constant 0 : i32
      %dma_start3A_49 = tpu.memref_slice %arg8[%mul3A_41, %dma_start3A_48] : memref<80x128xi32, #tpu.memory_space<vmem>> -> memref<1x128xi32, #tpu.memory_space<vmem>>
      %dma_start3A_50 = tpu.memref_squeeze %dma_start3A_49 : memref<1x128xi32, #tpu.memory_space<vmem>> -> memref<128xi32, #tpu.memory_space<vmem>>
      %dma_start3A_51 = arith.constant 0 : i32
      %dma_start3A_52 = arith.constant 0 : i32
      %dma_start3A_53 = tpu.memref_slice %arg12[%dma_start3A_51, %dma_start3A_52] : memref<10112x32xf32, #tpu.memory_space<vmem_shared>> -> memref<10112x32xf32, #tpu.memory_space<vmem_shared>>
      tpu.enqueue_indirect_dma source(%arg9 : memref<128x32xf32, #tpu.memory_space<vmem>>) target(%dma_start3A_53 : memref<10112x32xf32, #tpu.memory_space<vmem_shared>>) offsets(%dma_start3A_50 : memref<128xi32, #tpu.memory_space<vmem>>) semaphore(%arg16 : memref<!tpu.dma_semaphore, #tpu.memory_space<semaphore_mem>>) {add = true}
      %add3A_54 = arith.constant 1 : i32
      %add3A_55 = arith.addi %mul3A_41, %add3A_54 : i32
      %dma_wait3A_56 = arith.constant 0 : i32
      %dma_wait3A_57 = tpu.memref_slice %arg7[%add3A_55, %dma_wait3A_56] : memref<80x128xi32, #tpu.memory_space<vmem>> -> memref<1x128xi32, #tpu.memory_space<vmem>>
      %dma_wait3A_58 = tpu.memref_squeeze %dma_wait3A_57 : memref<1x128xi32, #tpu.memory_space<vmem>> -> memref<128xi32, #tpu.memory_space<vmem>>
      %dma_wait3A_59 = arith.constant 0 : i32
      %dma_wait3A_60 = arith.constant 0 : i32
      %dma_wait3A_61 = tpu.memref_slice %arg13[%dma_wait3A_59, %dma_wait3A_60] : memref<10112x32xf32, #tpu.memory_space<vmem_shared>> -> memref<10112x32xf32, #tpu.memory_space<vmem_shared>>
      tpu.wait_indirect_dma semaphore(%arg15 : memref<!tpu.dma_semaphore, #tpu.memory_space<semaphore_mem>>) src(%dma_wait3A_61 : memref<10112x32xf32, #tpu.memory_space<vmem_shared>>) dst(%arg10 : memref<128x32xf32, #tpu.memory_space<vmem>>)
      %add3A_62 = arith.constant 1 : i32
      %add3A_63 = arith.addi %mul3A_41, %add3A_62 : i32
      %dma_start3A_64 = arith.constant 0 : i32
      %dma_start3A_65 = tpu.memref_slice %arg8[%add3A_63, %dma_start3A_64] : memref<80x128xi32, #tpu.memory_space<vmem>> -> memref<1x128xi32, #tpu.memory_space<vmem>>
      %dma_start3A_66 = tpu.memref_squeeze %dma_start3A_65 : memref<1x128xi32, #tpu.memory_space<vmem>> -> memref<128xi32, #tpu.memory_space<vmem>>
      %dma_start3A_67 = arith.constant 0 : i32
      %dma_start3A_68 = arith.constant 0 : i32
      %dma_start3A_69 = tpu.memref_slice %arg12[%dma_start3A_67, %dma_start3A_68] : memref<10112x32xf32, #tpu.memory_space<vmem_shared>> -> memref<10112x32xf32, #tpu.memory_space<vmem_shared>>
      tpu.enqueue_indirect_dma source(%arg10 : memref<128x32xf32, #tpu.memory_space<vmem>>) target(%dma_start3A_69 : memref<10112x32xf32, #tpu.memory_space<vmem_shared>>) offsets(%dma_start3A_66 : memref<128xi32, #tpu.memory_space<vmem>>) semaphore(%arg17 : memref<!tpu.dma_semaphore, #tpu.memory_space<semaphore_mem>>) {add = true}
      %add3A_70 = arith.constant 1 : i32
      %add3A_71 = arith.addi %scan3A_39, %add3A_70 : i32
      %lt3A = arith.constant 40 : i32
      %lt3A_72 = arith.cmpi slt, %add3A_71, %lt3A : i32
      %convert_element_type3A = arith.extui %lt3A_72 : i1 to i32
      %cond3A = arith.constant 0 : i32
      %cond3A_73 = arith.cmpi ne, %convert_element_type3A, %cond3A : i32
      scf.if %cond3A_73 {
        %dma_wait3A_74 = arith.constant 0 : i32
        %dma_wait3A_75 = tpu.memref_slice %arg8[%mul3A_41, %dma_wait3A_74] : memref<80x128xi32, #tpu.memory_space<vmem>> -> memref<1x128xi32, #tpu.memory_space<vmem>>
        %dma_wait3A_76 = tpu.memref_squeeze %dma_wait3A_75 : memref<1x128xi32, #tpu.memory_space<vmem>> -> memref<128xi32, #tpu.memory_space<vmem>>
        %dma_wait3A_77 = arith.constant 0 : i32
        %dma_wait3A_78 = arith.constant 0 : i32
        %dma_wait3A_79 = tpu.memref_slice %arg12[%dma_wait3A_77, %dma_wait3A_78] : memref<10112x32xf32, #tpu.memory_space<vmem_shared>> -> memref<10112x32xf32, #tpu.memory_space<vmem_shared>>
        tpu.wait_indirect_dma semaphore(%arg16 : memref<!tpu.dma_semaphore, #tpu.memory_space<semaphore_mem>>) src(%arg9 : memref<128x32xf32, #tpu.memory_space<vmem>>) dst(%dma_wait3A_79 : memref<10112x32xf32, #tpu.memory_space<vmem_shared>>)
        %add3A_80 = arith.constant 2 : i32
        %add3A_81 = arith.addi %mul3A_41, %add3A_80 : i32
        %dma_start3A_82 = arith.constant 0 : i32
        %dma_start3A_83 = tpu.memref_slice %arg7[%add3A_81, %dma_start3A_82] : memref<80x128xi32, #tpu.memory_space<vmem>> -> memref<1x128xi32, #tpu.memory_space<vmem>>
        %dma_start3A_84 = tpu.memref_squeeze %dma_start3A_83 : memref<1x128xi32, #tpu.memory_space<vmem>> -> memref<128xi32, #tpu.memory_space<vmem>>
        %dma_start3A_85 = arith.constant 0 : i32
        %dma_start3A_86 = arith.constant 0 : i32
        %dma_start3A_87 = tpu.memref_slice %arg13[%dma_start3A_85, %dma_start3A_86] : memref<10112x32xf32, #tpu.memory_space<vmem_shared>> -> memref<10112x32xf32, #tpu.memory_space<vmem_shared>>
        tpu.enqueue_indirect_dma source(%dma_start3A_87 : memref<10112x32xf32, #tpu.memory_space<vmem_shared>>) target(%arg9 : memref<128x32xf32, #tpu.memory_space<vmem>>) offsets(%dma_start3A_84 : memref<128xi32, #tpu.memory_space<vmem>>) semaphore(%arg14 : memref<!tpu.dma_semaphore, #tpu.memory_space<semaphore_mem>>)
        %add3A_88 = arith.constant 1 : i32
        %add3A_89 = arith.addi %mul3A_41, %add3A_88 : i32
        %dma_wait3A_90 = arith.constant 0 : i32
        %dma_wait3A_91 = tpu.memref_slice %arg8[%add3A_89, %dma_wait3A_90] : memref<80x128xi32, #tpu.memory_space<vmem>> -> memref<1x128xi32, #tpu.memory_space<vmem>>
        %dma_wait3A_92 = tpu.memref_squeeze %dma_wait3A_91 : memref<1x128xi32, #tpu.memory_space<vmem>> -> memref<128xi32, #tpu.memory_space<vmem>>
        %dma_wait3A_93 = arith.constant 0 : i32
        %dma_wait3A_94 = arith.constant 0 : i32
        %dma_wait3A_95 = tpu.memref_slice %arg12[%dma_wait3A_93, %dma_wait3A_94] : memref<10112x32xf32, #tpu.memory_space<vmem_shared>> -> memref<10112x32xf32, #tpu.memory_space<vmem_shared>>
        tpu.wait_indirect_dma semaphore(%arg17 : memref<!tpu.dma_semaphore, #tpu.memory_space<semaphore_mem>>) src(%arg10 : memref<128x32xf32, #tpu.memory_space<vmem>>) dst(%dma_wait3A_95 : memref<10112x32xf32, #tpu.memory_space<vmem_shared>>)
        %add3A_96 = arith.constant 3 : i32
        %add3A_97 = arith.addi %mul3A_41, %add3A_96 : i32
        %dma_start3A_98 = arith.constant 0 : i32
        %dma_start3A_99 = tpu.memref_slice %arg7[%add3A_97, %dma_start3A_98] : memref<80x128xi32, #tpu.memory_space<vmem>> -> memref<1x128xi32, #tpu.memory_space<vmem>>
        %dma_start3A_100 = tpu.memref_squeeze %dma_start3A_99 : memref<1x128xi32, #tpu.memory_space<vmem>> -> memref<128xi32, #tpu.memory_space<vmem>>
        %dma_start3A_101 = arith.constant 0 : i32
        %dma_start3A_102 = arith.constant 0 : i32
        %dma_start3A_103 = tpu.memref_slice %arg13[%dma_start3A_101, %dma_start3A_102] : memref<10112x32xf32, #tpu.memory_space<vmem_shared>> -> memref<10112x32xf32, #tpu.memory_space<vmem_shared>>
        tpu.enqueue_indirect_dma source(%dma_start3A_103 : memref<10112x32xf32, #tpu.memory_space<vmem_shared>>) target(%arg10 : memref<128x32xf32, #tpu.memory_space<vmem>>) offsets(%dma_start3A_100 : memref<128xi32, #tpu.memory_space<vmem>>) semaphore(%arg15 : memref<!tpu.dma_semaphore, #tpu.memory_space<semaphore_mem>>)
      } else {
      }
    }
    %scan3A_24 = arith.constant 40 : i32
    %dma_wait3A = arith.constant 78 : i32
    %dma_wait3A_25 = arith.constant 0 : i32
    %dma_wait3A_26 = tpu.memref_slice %arg8[%dma_wait3A, %dma_wait3A_25] : memref<80x128xi32, #tpu.memory_space<vmem>> -> memref<1x128xi32, #tpu.memory_space<vmem>>
    %dma_wait3A_27 = tpu.memref_squeeze %dma_wait3A_26 : memref<1x128xi32, #tpu.memory_space<vmem>> -> memref<128xi32, #tpu.memory_space<vmem>>
    %dma_wait3A_28 = arith.constant 0 : i32
    %dma_wait3A_29 = arith.constant 0 : i32
    %dma_wait3A_30 = tpu.memref_slice %arg12[%dma_wait3A_28, %dma_wait3A_29] : memref<10112x32xf32, #tpu.memory_space<vmem_shared>> -> memref<10112x32xf32, #tpu.memory_space<vmem_shared>>
    tpu.wait_indirect_dma semaphore(%arg16 : memref<!tpu.dma_semaphore, #tpu.memory_space<semaphore_mem>>) src(%arg9 : memref<128x32xf32, #tpu.memory_space<vmem>>) dst(%dma_wait3A_30 : memref<10112x32xf32, #tpu.memory_space<vmem_shared>>)
    %dma_wait3A_31 = arith.constant 79 : i32
    %dma_wait3A_32 = arith.constant 0 : i32
    %dma_wait3A_33 = tpu.memref_slice %arg8[%dma_wait3A_31, %dma_wait3A_32] : memref<80x128xi32, #tpu.memory_space<vmem>> -> memref<1x128xi32, #tpu.memory_space<vmem>>
    %dma_wait3A_34 = tpu.memref_squeeze %dma_wait3A_33 : memref<1x128xi32, #tpu.memory_space<vmem>> -> memref<128xi32, #tpu.memory_space<vmem>>
    %dma_wait3A_35 = arith.constant 0 : i32
    %dma_wait3A_36 = arith.constant 0 : i32
    %dma_wait3A_37 = tpu.memref_slice %arg12[%dma_wait3A_35, %dma_wait3A_36] : memref<10112x32xf32, #tpu.memory_space<vmem_shared>> -> memref<10112x32xf32, #tpu.memory_space<vmem_shared>>
    tpu.wait_indirect_dma semaphore(%arg17 : memref<!tpu.dma_semaphore, #tpu.memory_space<semaphore_mem>>) src(%arg10 : memref<128x32xf32, #tpu.memory_space<vmem>>) dst(%dma_wait3A_37 : memref<10112x32xf32, #tpu.memory_space<vmem_shared>>)
    %barrier3A_38 = arith.constant 0 : index
    tpu.barrier barrier_id(%barrier3A_38)
    "tpu.region"() ({
      %run_scoped3A = tpu.sem_alloc : memref<!tpu.dma_semaphore, #tpu.memory_space<semaphore_mem>>
      %dma_start3A_39 = arith.constant 0 : i32
      %dma_start3A_40 = tpu.memref_slice %arg6[%arg0, %mul3A_6, %dma_start3A_39] : memref<2x10112x32xf32, #tpu.memory_space<hbm>> -> memref<1x632x32xf32, #tpu.memory_space<hbm>>
      %dma_start3A_41 = tpu.memref_squeeze %dma_start3A_40 : memref<1x632x32xf32, #tpu.memory_space<hbm>> -> memref<632x32xf32, #tpu.memory_space<hbm>>
      %dma_start3A_42 = arith.constant 0 : i32
      %dma_start3A_43 = tpu.memref_slice %arg12[%mul3A_6, %dma_start3A_42] : memref<10112x32xf32, #tpu.memory_space<vmem_shared>> -> memref<632x32xf32, #tpu.memory_space<vmem_shared>>
      tpu.enqueue_dma source(%dma_start3A_43 : memref<632x32xf32, #tpu.memory_space<vmem_shared>>) target(%dma_start3A_41 : memref<632x32xf32, #tpu.memory_space<hbm>>) target_semaphore(%run_scoped3A : memref<!tpu.dma_semaphore, #tpu.memory_space<semaphore_mem>>)
      %dma_wait3A_44 = arith.constant 0 : i32
      %dma_wait3A_45 = tpu.memref_slice %arg6[%arg0, %mul3A_6, %dma_wait3A_44] : memref<2x10112x32xf32, #tpu.memory_space<hbm>> -> memref<1x632x32xf32, #tpu.memory_space<hbm>>
      %dma_wait3A_46 = tpu.memref_squeeze %dma_wait3A_45 : memref<1x632x32xf32, #tpu.memory_space<hbm>> -> memref<632x32xf32, #tpu.memory_space<hbm>>
      %dma_wait3A_47 = arith.constant 0 : i32
      %dma_wait3A_48 = tpu.memref_slice %arg12[%mul3A_6, %dma_wait3A_47] : memref<10112x32xf32, #tpu.memory_space<vmem_shared>> -> memref<632x32xf32, #tpu.memory_space<vmem_shared>>
      tpu.wait_dma2 semaphore(%run_scoped3A : memref<!tpu.dma_semaphore, #tpu.memory_space<semaphore_mem>>) src(%dma_wait3A_48 : memref<632x32xf32, #tpu.memory_space<vmem_shared>>) dst(%dma_wait3A_46 : memref<632x32xf32, #tpu.memory_space<hbm>>)
      tpu.yield
    }) : () -> ()
    return
  }
}

#map = affine_map<(d0, d1) -> (0, 0)>
#map1 = affine_map<(d0, d1) -> (0, 0, 0)>
module attributes {stable_mosaic.version = 14 : i64} {
  func.func @_prop_body(%arg0: i32, %arg1: i32, %arg2: memref<10112x32xf32, #tpu.memory_space<hbm>>, %arg3: memref<2560x128xi32, #tpu.memory_space<hbm>>, %arg4: memref<2560x128xi32, #tpu.memory_space<hbm>>, %arg5: memref<10112x32xf32, #tpu.memory_space<hbm>>, %arg6: memref<2x10112x32xf32, #tpu.memory_space<hbm>>, %arg7: memref<80x128xi32, #tpu.memory_space<vmem>>, %arg8: memref<80x128xi32, #tpu.memory_space<vmem>>, %arg9: memref<128x32xf32, #tpu.memory_space<vmem>>, %arg10: memref<128x32xf32, #tpu.memory_space<vmem>>, %arg11: memref<632x32xf32, #tpu.memory_space<vmem>>, %arg12: memref<10112x32xf32, #tpu.memory_space<vmem_shared>>, %arg13: memref<10112x32xf32, #tpu.memory_space<vmem_shared>>, %arg14: memref<!tpu.dma_semaphore, #tpu.memory_space<semaphore_mem>>, %arg15: memref<!tpu.dma_semaphore, #tpu.memory_space<semaphore_mem>>, %arg16: memref<!tpu.dma_semaphore, #tpu.memory_space<semaphore_mem>>, %arg17: memref<!tpu.dma_semaphore, #tpu.memory_space<semaphore_mem>>) attributes {dimension_semantics = [#tpu.dimension_semantics<core_parallel>, #tpu.dimension_semantics<subcore_parallel>], iteration_bounds = array<i64: 2, 16>, scalar_prefetch = 0 : i64, scratch_operands = 11 : i64, tpu.core_type = #tpu.core_type<sc_vector_subcore>, window_params = [{transform_indices = #map}, {transform_indices = #map}, {transform_indices = #map}, {transform_indices = #map}, {transform_indices = #map1}]} {
    %mul3A = arith.constant 2 : i32
    %mul3A_0 = arith.muli %arg1, %mul3A : i32
    %add3A = arith.addi %mul3A_0, %arg0 : i32
    %mul3A_1 = arith.constant 80 : i32
    %mul3A_2 = arith.muli %add3A, %mul3A_1 : i32
    "tpu.region"() ({
      %run_scoped3A = tpu.sem_alloc : memref<!tpu.dma_semaphore, #tpu.memory_space<semaphore_mem>>
      %dma_start3A_39 = arith.constant 0 : i32
      %dma_start3A_40 = tpu.memref_slice %arg3[%mul3A_2, %dma_start3A_39] : memref<2560x128xi32, #tpu.memory_space<hbm>> -> memref<80x128xi32, #tpu.memory_space<hbm>>
      %dma_start3A_41 = arith.constant 0 : i32
      %dma_start3A_42 = tpu.memref_slice %arg3[%mul3A_2, %dma_start3A_41] : memref<2560x128xi32, #tpu.memory_space<hbm>> -> memref<80x128xi32, #tpu.memory_space<hbm>>
      tpu.enqueue_dma source(%dma_start3A_42 : memref<80x128xi32, #tpu.memory_space<hbm>>) target(%arg7 : memref<80x128xi32, #tpu.memory_space<vmem>>) target_semaphore(%run_scoped3A : memref<!tpu.dma_semaphore, #tpu.memory_space<semaphore_mem>>)
      %dma_wait3A_43 = arith.constant 0 : i32
      %dma_wait3A_44 = tpu.memref_slice %arg3[%mul3A_2, %dma_wait3A_43] : memref<2560x128xi32, #tpu.memory_space<hbm>> -> memref<80x128xi32, #tpu.memory_space<hbm>>
      %dma_wait3A_45 = arith.constant 0 : i32
      %dma_wait3A_46 = tpu.memref_slice %arg3[%mul3A_2, %dma_wait3A_45] : memref<2560x128xi32, #tpu.memory_space<hbm>> -> memref<80x128xi32, #tpu.memory_space<hbm>>
      tpu.wait_dma2 semaphore(%run_scoped3A : memref<!tpu.dma_semaphore, #tpu.memory_space<semaphore_mem>>) src(%dma_wait3A_46 : memref<80x128xi32, #tpu.memory_space<hbm>>) dst(%arg7 : memref<80x128xi32, #tpu.memory_space<vmem>>)
      tpu.yield
    }) : () -> ()
    %mul3A_3 = arith.constant 80 : i32
    %mul3A_4 = arith.muli %add3A, %mul3A_3 : i32
    "tpu.region"() ({
      %run_scoped3A = tpu.sem_alloc : memref<!tpu.dma_semaphore, #tpu.memory_space<semaphore_mem>>
      %dma_start3A_39 = arith.constant 0 : i32
      %dma_start3A_40 = tpu.memref_slice %arg4[%mul3A_4, %dma_start3A_39] : memref<2560x128xi32, #tpu.memory_space<hbm>> -> memref<80x128xi32, #tpu.memory_space<hbm>>
      %dma_start3A_41 = arith.constant 0 : i32
      %dma_start3A_42 = tpu.memref_slice %arg4[%mul3A_4, %dma_start3A_41] : memref<2560x128xi32, #tpu.memory_space<hbm>> -> memref<80x128xi32, #tpu.memory_space<hbm>>
      tpu.enqueue_dma source(%dma_start3A_42 : memref<80x128xi32, #tpu.memory_space<hbm>>) target(%arg8 : memref<80x128xi32, #tpu.memory_space<vmem>>) target_semaphore(%run_scoped3A : memref<!tpu.dma_semaphore, #tpu.memory_space<semaphore_mem>>)
      %dma_wait3A_43 = arith.constant 0 : i32
      %dma_wait3A_44 = tpu.memref_slice %arg4[%mul3A_4, %dma_wait3A_43] : memref<2560x128xi32, #tpu.memory_space<hbm>> -> memref<80x128xi32, #tpu.memory_space<hbm>>
      %dma_wait3A_45 = arith.constant 0 : i32
      %dma_wait3A_46 = tpu.memref_slice %arg4[%mul3A_4, %dma_wait3A_45] : memref<2560x128xi32, #tpu.memory_space<hbm>> -> memref<80x128xi32, #tpu.memory_space<hbm>>
      tpu.wait_dma2 semaphore(%run_scoped3A : memref<!tpu.dma_semaphore, #tpu.memory_space<semaphore_mem>>) src(%dma_wait3A_46 : memref<80x128xi32, #tpu.memory_space<hbm>>) dst(%arg8 : memref<80x128xi32, #tpu.memory_space<vmem>>)
      tpu.yield
    }) : () -> ()
    %mul3A_5 = arith.constant 632 : i32
    %mul3A_6 = arith.muli %arg1, %mul3A_5 : i32
    "tpu.region"() ({
      %run_scoped3A = tpu.sem_alloc : memref<!tpu.dma_semaphore, #tpu.memory_space<semaphore_mem>>
      %dma_start3A_39 = arith.constant 0 : i32
      %dma_start3A_40 = tpu.memref_slice %arg2[%mul3A_6, %dma_start3A_39] : memref<10112x32xf32, #tpu.memory_space<hbm>> -> memref<632x32xf32, #tpu.memory_space<hbm>>
      %dma_start3A_41 = arith.constant 0 : i32
      %dma_start3A_42 = tpu.memref_slice %arg2[%mul3A_6, %dma_start3A_41] : memref<10112x32xf32, #tpu.memory_space<hbm>> -> memref<632x32xf32, #tpu.memory_space<hbm>>
      tpu.enqueue_dma source(%dma_start3A_42 : memref<632x32xf32, #tpu.memory_space<hbm>>) target(%arg11 : memref<632x32xf32, #tpu.memory_space<vmem>>) target_semaphore(%run_scoped3A : memref<!tpu.dma_semaphore, #tpu.memory_space<semaphore_mem>>)
      %dma_wait3A_43 = arith.constant 0 : i32
      %dma_wait3A_44 = tpu.memref_slice %arg2[%mul3A_6, %dma_wait3A_43] : memref<10112x32xf32, #tpu.memory_space<hbm>> -> memref<632x32xf32, #tpu.memory_space<hbm>>
      %dma_wait3A_45 = arith.constant 0 : i32
      %dma_wait3A_46 = tpu.memref_slice %arg2[%mul3A_6, %dma_wait3A_45] : memref<10112x32xf32, #tpu.memory_space<hbm>> -> memref<632x32xf32, #tpu.memory_space<hbm>>
      tpu.wait_dma2 semaphore(%run_scoped3A : memref<!tpu.dma_semaphore, #tpu.memory_space<semaphore_mem>>) src(%dma_wait3A_46 : memref<632x32xf32, #tpu.memory_space<hbm>>) dst(%arg11 : memref<632x32xf32, #tpu.memory_space<vmem>>)
      tpu.yield
    }) : () -> ()
    "tpu.region"() ({
      %run_scoped3A = tpu.sem_alloc : memref<!tpu.dma_semaphore, #tpu.memory_space<semaphore_mem>>
      %dma_start3A_39 = arith.constant 0 : i32
      %dma_start3A_40 = tpu.memref_slice %arg13[%mul3A_6, %dma_start3A_39] : memref<10112x32xf32, #tpu.memory_space<vmem_shared>> -> memref<632x32xf32, #tpu.memory_space<vmem_shared>>
      %dma_start3A_41 = arith.constant 0 : i32
      %dma_start3A_42 = tpu.memref_slice %arg13[%mul3A_6, %dma_start3A_41] : memref<10112x32xf32, #tpu.memory_space<vmem_shared>> -> memref<632x32xf32, #tpu.memory_space<vmem_shared>>
      tpu.enqueue_dma source(%arg11 : memref<632x32xf32, #tpu.memory_space<vmem>>) target(%dma_start3A_42 : memref<632x32xf32, #tpu.memory_space<vmem_shared>>) target_semaphore(%run_scoped3A : memref<!tpu.dma_semaphore, #tpu.memory_space<semaphore_mem>>)
      %dma_wait3A_43 = arith.constant 0 : i32
      %dma_wait3A_44 = tpu.memref_slice %arg13[%mul3A_6, %dma_wait3A_43] : memref<10112x32xf32, #tpu.memory_space<vmem_shared>> -> memref<632x32xf32, #tpu.memory_space<vmem_shared>>
      %dma_wait3A_45 = arith.constant 0 : i32
      %dma_wait3A_46 = tpu.memref_slice %arg13[%mul3A_6, %dma_wait3A_45] : memref<10112x32xf32, #tpu.memory_space<vmem_shared>> -> memref<632x32xf32, #tpu.memory_space<vmem_shared>>
      tpu.wait_dma2 semaphore(%run_scoped3A : memref<!tpu.dma_semaphore, #tpu.memory_space<semaphore_mem>>) src(%arg11 : memref<632x32xf32, #tpu.memory_space<vmem>>) dst(%dma_wait3A_46 : memref<632x32xf32, #tpu.memory_space<vmem_shared>>)
      tpu.yield
    }) : () -> ()
    "tpu.region"() ({
      %run_scoped3A = tpu.sem_alloc : memref<!tpu.dma_semaphore, #tpu.memory_space<semaphore_mem>>
      %dma_start3A_39 = arith.constant 0 : i32
      %dma_start3A_40 = tpu.memref_slice %arg5[%mul3A_6, %dma_start3A_39] : memref<10112x32xf32, #tpu.memory_space<hbm>> -> memref<632x32xf32, #tpu.memory_space<hbm>>
      %dma_start3A_41 = arith.constant 0 : i32
      %dma_start3A_42 = tpu.memref_slice %arg5[%mul3A_6, %dma_start3A_41] : memref<10112x32xf32, #tpu.memory_space<hbm>> -> memref<632x32xf32, #tpu.memory_space<hbm>>
      tpu.enqueue_dma source(%dma_start3A_42 : memref<632x32xf32, #tpu.memory_space<hbm>>) target(%arg11 : memref<632x32xf32, #tpu.memory_space<vmem>>) target_semaphore(%run_scoped3A : memref<!tpu.dma_semaphore, #tpu.memory_space<semaphore_mem>>)
      %dma_wait3A_43 = arith.constant 0 : i32
      %dma_wait3A_44 = tpu.memref_slice %arg5[%mul3A_6, %dma_wait3A_43] : memref<10112x32xf32, #tpu.memory_space<hbm>> -> memref<632x32xf32, #tpu.memory_space<hbm>>
      %dma_wait3A_45 = arith.constant 0 : i32
      %dma_wait3A_46 = tpu.memref_slice %arg5[%mul3A_6, %dma_wait3A_45] : memref<10112x32xf32, #tpu.memory_space<hbm>> -> memref<632x32xf32, #tpu.memory_space<hbm>>
      tpu.wait_dma2 semaphore(%run_scoped3A : memref<!tpu.dma_semaphore, #tpu.memory_space<semaphore_mem>>) src(%dma_wait3A_46 : memref<632x32xf32, #tpu.memory_space<hbm>>) dst(%arg11 : memref<632x32xf32, #tpu.memory_space<vmem>>)
      tpu.yield
    }) : () -> ()
    "tpu.region"() ({
      %run_scoped3A = tpu.sem_alloc : memref<!tpu.dma_semaphore, #tpu.memory_space<semaphore_mem>>
      %dma_start3A_39 = arith.constant 0 : i32
      %dma_start3A_40 = tpu.memref_slice %arg12[%mul3A_6, %dma_start3A_39] : memref<10112x32xf32, #tpu.memory_space<vmem_shared>> -> memref<632x32xf32, #tpu.memory_space<vmem_shared>>
      %dma_start3A_41 = arith.constant 0 : i32
      %dma_start3A_42 = tpu.memref_slice %arg12[%mul3A_6, %dma_start3A_41] : memref<10112x32xf32, #tpu.memory_space<vmem_shared>> -> memref<632x32xf32, #tpu.memory_space<vmem_shared>>
      tpu.enqueue_dma source(%arg11 : memref<632x32xf32, #tpu.memory_space<vmem>>) target(%dma_start3A_42 : memref<632x32xf32, #tpu.memory_space<vmem_shared>>) target_semaphore(%run_scoped3A : memref<!tpu.dma_semaphore, #tpu.memory_space<semaphore_mem>>)
      %dma_wait3A_43 = arith.constant 0 : i32
      %dma_wait3A_44 = tpu.memref_slice %arg12[%mul3A_6, %dma_wait3A_43] : memref<10112x32xf32, #tpu.memory_space<vmem_shared>> -> memref<632x32xf32, #tpu.memory_space<vmem_shared>>
      %dma_wait3A_45 = arith.constant 0 : i32
      %dma_wait3A_46 = tpu.memref_slice %arg12[%mul3A_6, %dma_wait3A_45] : memref<10112x32xf32, #tpu.memory_space<vmem_shared>> -> memref<632x32xf32, #tpu.memory_space<vmem_shared>>
      tpu.wait_dma2 semaphore(%run_scoped3A : memref<!tpu.dma_semaphore, #tpu.memory_space<semaphore_mem>>) src(%arg11 : memref<632x32xf32, #tpu.memory_space<vmem>>) dst(%dma_wait3A_46 : memref<632x32xf32, #tpu.memory_space<vmem_shared>>)
      tpu.yield
    }) : () -> ()
    %barrier3A = arith.constant 0 : index
    tpu.barrier barrier_id(%barrier3A)
    %dma_start3A = arith.constant 0 : i32
    %dma_start3A_7 = arith.constant 0 : i32
    %dma_start3A_8 = tpu.memref_slice %arg7[%dma_start3A, %dma_start3A_7] : memref<80x128xi32, #tpu.memory_space<vmem>> -> memref<1x128xi32, #tpu.memory_space<vmem>>
    %dma_start3A_9 = tpu.memref_squeeze %dma_start3A_8 : memref<1x128xi32, #tpu.memory_space<vmem>> -> memref<128xi32, #tpu.memory_space<vmem>>
    %dma_start3A_10 = arith.constant 0 : i32
    %dma_start3A_11 = arith.constant 0 : i32
    %dma_start3A_12 = tpu.memref_slice %arg13[%dma_start3A_10, %dma_start3A_11] : memref<10112x32xf32, #tpu.memory_space<vmem_shared>> -> memref<10112x32xf32, #tpu.memory_space<vmem_shared>>
    tpu.enqueue_indirect_dma source(%dma_start3A_12 : memref<10112x32xf32, #tpu.memory_space<vmem_shared>>) target(%arg9 : memref<128x32xf32, #tpu.memory_space<vmem>>) offsets(%dma_start3A_9 : memref<128xi32, #tpu.memory_space<vmem>>) semaphore(%arg14 : memref<!tpu.dma_semaphore, #tpu.memory_space<semaphore_mem>>)
    %dma_start3A_13 = arith.constant 1 : i32
    %dma_start3A_14 = arith.constant 0 : i32
    %dma_start3A_15 = tpu.memref_slice %arg7[%dma_start3A_13, %dma_start3A_14] : memref<80x128xi32, #tpu.memory_space<vmem>> -> memref<1x128xi32, #tpu.memory_space<vmem>>
    %dma_start3A_16 = tpu.memref_squeeze %dma_start3A_15 : memref<1x128xi32, #tpu.memory_space<vmem>> -> memref<128xi32, #tpu.memory_space<vmem>>
    %dma_start3A_17 = arith.constant 0 : i32
    %dma_start3A_18 = arith.constant 0 : i32
    %dma_start3A_19 = tpu.memref_slice %arg13[%dma_start3A_17, %dma_start3A_18] : memref<10112x32xf32, #tpu.memory_space<vmem_shared>> -> memref<10112x32xf32, #tpu.memory_space<vmem_shared>>
    tpu.enqueue_indirect_dma source(%dma_start3A_19 : memref<10112x32xf32, #tpu.memory_space<vmem_shared>>) target(%arg10 : memref<128x32xf32, #tpu.memory_space<vmem>>) offsets(%dma_start3A_16 : memref<128xi32, #tpu.memory_space<vmem>>) semaphore(%arg15 : memref<!tpu.dma_semaphore, #tpu.memory_space<semaphore_mem>>)
    %scan3A = arith.constant 0 : i32
    %scan3A_20 = arith.constant 0 : i32
    %scan3A_21 = arith.constant 40 : i32
    %scan3A_22 = arith.addi %scan3A_20, %scan3A_21 : i32
    %scan3A_23 = arith.constant 1 : i32
    scf.for %scan3A_39 = %scan3A_20 to %scan3A_22 step %scan3A_23  : i32 {
      %mul3A_40 = arith.constant 2 : i32
      %mul3A_41 = arith.muli %mul3A_40, %scan3A_39 : i32
      %dma_wait3A_42 = arith.constant 0 : i32
      %dma_wait3A_43 = tpu.memref_slice %arg7[%mul3A_41, %dma_wait3A_42] : memref<80x128xi32, #tpu.memory_space<vmem>> -> memref<1x128xi32, #tpu.memory_space<vmem>>
      %dma_wait3A_44 = tpu.memref_squeeze %dma_wait3A_43 : memref<1x128xi32, #tpu.memory_space<vmem>> -> memref<128xi32, #tpu.memory_space<vmem>>
      %dma_wait3A_45 = arith.constant 0 : i32
      %dma_wait3A_46 = arith.constant 0 : i32
      %dma_wait3A_47 = tpu.memref_slice %arg13[%dma_wait3A_45, %dma_wait3A_46] : memref<10112x32xf32, #tpu.memory_space<vmem_shared>> -> memref<10112x32xf32, #tpu.memory_space<vmem_shared>>
      tpu.wait_indirect_dma semaphore(%arg14 : memref<!tpu.dma_semaphore, #tpu.memory_space<semaphore_mem>>) src(%dma_wait3A_47 : memref<10112x32xf32, #tpu.memory_space<vmem_shared>>) dst(%arg9 : memref<128x32xf32, #tpu.memory_space<vmem>>)
      %dma_start3A_48 = arith.constant 0 : i32
      %dma_start3A_49 = tpu.memref_slice %arg8[%mul3A_41, %dma_start3A_48] : memref<80x128xi32, #tpu.memory_space<vmem>> -> memref<1x128xi32, #tpu.memory_space<vmem>>
      %dma_start3A_50 = tpu.memref_squeeze %dma_start3A_49 : memref<1x128xi32, #tpu.memory_space<vmem>> -> memref<128xi32, #tpu.memory_space<vmem>>
      %dma_start3A_51 = arith.constant 0 : i32
      %dma_start3A_52 = arith.constant 0 : i32
      %dma_start3A_53 = tpu.memref_slice %arg12[%dma_start3A_51, %dma_start3A_52] : memref<10112x32xf32, #tpu.memory_space<vmem_shared>> -> memref<10112x32xf32, #tpu.memory_space<vmem_shared>>
      tpu.enqueue_indirect_dma source(%arg9 : memref<128x32xf32, #tpu.memory_space<vmem>>) target(%dma_start3A_53 : memref<10112x32xf32, #tpu.memory_space<vmem_shared>>) offsets(%dma_start3A_50 : memref<128xi32, #tpu.memory_space<vmem>>) semaphore(%arg16 : memref<!tpu.dma_semaphore, #tpu.memory_space<semaphore_mem>>) {add = true}
      %add3A_54 = arith.constant 1 : i32
      %add3A_55 = arith.addi %mul3A_41, %add3A_54 : i32
      %dma_wait3A_56 = arith.constant 0 : i32
      %dma_wait3A_57 = tpu.memref_slice %arg7[%add3A_55, %dma_wait3A_56] : memref<80x128xi32, #tpu.memory_space<vmem>> -> memref<1x128xi32, #tpu.memory_space<vmem>>
      %dma_wait3A_58 = tpu.memref_squeeze %dma_wait3A_57 : memref<1x128xi32, #tpu.memory_space<vmem>> -> memref<128xi32, #tpu.memory_space<vmem>>
      %dma_wait3A_59 = arith.constant 0 : i32
      %dma_wait3A_60 = arith.constant 0 : i32
      %dma_wait3A_61 = tpu.memref_slice %arg13[%dma_wait3A_59, %dma_wait3A_60] : memref<10112x32xf32, #tpu.memory_space<vmem_shared>> -> memref<10112x32xf32, #tpu.memory_space<vmem_shared>>
      tpu.wait_indirect_dma semaphore(%arg15 : memref<!tpu.dma_semaphore, #tpu.memory_space<semaphore_mem>>) src(%dma_wait3A_61 : memref<10112x32xf32, #tpu.memory_space<vmem_shared>>) dst(%arg10 : memref<128x32xf32, #tpu.memory_space<vmem>>)
      %add3A_62 = arith.constant 1 : i32
      %add3A_63 = arith.addi %mul3A_41, %add3A_62 : i32
      %dma_start3A_64 = arith.constant 0 : i32
      %dma_start3A_65 = tpu.memref_slice %arg8[%add3A_63, %dma_start3A_64] : memref<80x128xi32, #tpu.memory_space<vmem>> -> memref<1x128xi32, #tpu.memory_space<vmem>>
      %dma_start3A_66 = tpu.memref_squeeze %dma_start3A_65 : memref<1x128xi32, #tpu.memory_space<vmem>> -> memref<128xi32, #tpu.memory_space<vmem>>
      %dma_start3A_67 = arith.constant 0 : i32
      %dma_start3A_68 = arith.constant 0 : i32
      %dma_start3A_69 = tpu.memref_slice %arg12[%dma_start3A_67, %dma_start3A_68] : memref<10112x32xf32, #tpu.memory_space<vmem_shared>> -> memref<10112x32xf32, #tpu.memory_space<vmem_shared>>
      tpu.enqueue_indirect_dma source(%arg10 : memref<128x32xf32, #tpu.memory_space<vmem>>) target(%dma_start3A_69 : memref<10112x32xf32, #tpu.memory_space<vmem_shared>>) offsets(%dma_start3A_66 : memref<128xi32, #tpu.memory_space<vmem>>) semaphore(%arg17 : memref<!tpu.dma_semaphore, #tpu.memory_space<semaphore_mem>>) {add = true}
      %add3A_70 = arith.constant 1 : i32
      %add3A_71 = arith.addi %scan3A_39, %add3A_70 : i32
      %lt3A = arith.constant 40 : i32
      %lt3A_72 = arith.cmpi slt, %add3A_71, %lt3A : i32
      %convert_element_type3A = arith.extui %lt3A_72 : i1 to i32
      %cond3A = arith.constant 0 : i32
      %cond3A_73 = arith.cmpi ne, %convert_element_type3A, %cond3A : i32
      scf.if %cond3A_73 {
        %dma_wait3A_74 = arith.constant 0 : i32
        %dma_wait3A_75 = tpu.memref_slice %arg8[%mul3A_41, %dma_wait3A_74] : memref<80x128xi32, #tpu.memory_space<vmem>> -> memref<1x128xi32, #tpu.memory_space<vmem>>
        %dma_wait3A_76 = tpu.memref_squeeze %dma_wait3A_75 : memref<1x128xi32, #tpu.memory_space<vmem>> -> memref<128xi32, #tpu.memory_space<vmem>>
        %dma_wait3A_77 = arith.constant 0 : i32
        %dma_wait3A_78 = arith.constant 0 : i32
        %dma_wait3A_79 = tpu.memref_slice %arg12[%dma_wait3A_77, %dma_wait3A_78] : memref<10112x32xf32, #tpu.memory_space<vmem_shared>> -> memref<10112x32xf32, #tpu.memory_space<vmem_shared>>
        tpu.wait_indirect_dma semaphore(%arg16 : memref<!tpu.dma_semaphore, #tpu.memory_space<semaphore_mem>>) src(%arg9 : memref<128x32xf32, #tpu.memory_space<vmem>>) dst(%dma_wait3A_79 : memref<10112x32xf32, #tpu.memory_space<vmem_shared>>)
        %add3A_80 = arith.constant 2 : i32
        %add3A_81 = arith.addi %mul3A_41, %add3A_80 : i32
        %dma_start3A_82 = arith.constant 0 : i32
        %dma_start3A_83 = tpu.memref_slice %arg7[%add3A_81, %dma_start3A_82] : memref<80x128xi32, #tpu.memory_space<vmem>> -> memref<1x128xi32, #tpu.memory_space<vmem>>
        %dma_start3A_84 = tpu.memref_squeeze %dma_start3A_83 : memref<1x128xi32, #tpu.memory_space<vmem>> -> memref<128xi32, #tpu.memory_space<vmem>>
        %dma_start3A_85 = arith.constant 0 : i32
        %dma_start3A_86 = arith.constant 0 : i32
        %dma_start3A_87 = tpu.memref_slice %arg13[%dma_start3A_85, %dma_start3A_86] : memref<10112x32xf32, #tpu.memory_space<vmem_shared>> -> memref<10112x32xf32, #tpu.memory_space<vmem_shared>>
        tpu.enqueue_indirect_dma source(%dma_start3A_87 : memref<10112x32xf32, #tpu.memory_space<vmem_shared>>) target(%arg9 : memref<128x32xf32, #tpu.memory_space<vmem>>) offsets(%dma_start3A_84 : memref<128xi32, #tpu.memory_space<vmem>>) semaphore(%arg14 : memref<!tpu.dma_semaphore, #tpu.memory_space<semaphore_mem>>)
        %add3A_88 = arith.constant 1 : i32
        %add3A_89 = arith.addi %mul3A_41, %add3A_88 : i32
        %dma_wait3A_90 = arith.constant 0 : i32
        %dma_wait3A_91 = tpu.memref_slice %arg8[%add3A_89, %dma_wait3A_90] : memref<80x128xi32, #tpu.memory_space<vmem>> -> memref<1x128xi32, #tpu.memory_space<vmem>>
        %dma_wait3A_92 = tpu.memref_squeeze %dma_wait3A_91 : memref<1x128xi32, #tpu.memory_space<vmem>> -> memref<128xi32, #tpu.memory_space<vmem>>
        %dma_wait3A_93 = arith.constant 0 : i32
        %dma_wait3A_94 = arith.constant 0 : i32
        %dma_wait3A_95 = tpu.memref_slice %arg12[%dma_wait3A_93, %dma_wait3A_94] : memref<10112x32xf32, #tpu.memory_space<vmem_shared>> -> memref<10112x32xf32, #tpu.memory_space<vmem_shared>>
        tpu.wait_indirect_dma semaphore(%arg17 : memref<!tpu.dma_semaphore, #tpu.memory_space<semaphore_mem>>) src(%arg10 : memref<128x32xf32, #tpu.memory_space<vmem>>) dst(%dma_wait3A_95 : memref<10112x32xf32, #tpu.memory_space<vmem_shared>>)
        %add3A_96 = arith.constant 3 : i32
        %add3A_97 = arith.addi %mul3A_41, %add3A_96 : i32
        %dma_start3A_98 = arith.constant 0 : i32
        %dma_start3A_99 = tpu.memref_slice %arg7[%add3A_97, %dma_start3A_98] : memref<80x128xi32, #tpu.memory_space<vmem>> -> memref<1x128xi32, #tpu.memory_space<vmem>>
        %dma_start3A_100 = tpu.memref_squeeze %dma_start3A_99 : memref<1x128xi32, #tpu.memory_space<vmem>> -> memref<128xi32, #tpu.memory_space<vmem>>
        %dma_start3A_101 = arith.constant 0 : i32
        %dma_start3A_102 = arith.constant 0 : i32
        %dma_start3A_103 = tpu.memref_slice %arg13[%dma_start3A_101, %dma_start3A_102] : memref<10112x32xf32, #tpu.memory_space<vmem_shared>> -> memref<10112x32xf32, #tpu.memory_space<vmem_shared>>
        tpu.enqueue_indirect_dma source(%dma_start3A_103 : memref<10112x32xf32, #tpu.memory_space<vmem_shared>>) target(%arg10 : memref<128x32xf32, #tpu.memory_space<vmem>>) offsets(%dma_start3A_100 : memref<128xi32, #tpu.memory_space<vmem>>) semaphore(%arg15 : memref<!tpu.dma_semaphore, #tpu.memory_space<semaphore_mem>>)
      } else {
      }
    }
    %scan3A_24 = arith.constant 40 : i32
    %dma_wait3A = arith.constant 78 : i32
    %dma_wait3A_25 = arith.constant 0 : i32
    %dma_wait3A_26 = tpu.memref_slice %arg8[%dma_wait3A, %dma_wait3A_25] : memref<80x128xi32, #tpu.memory_space<vmem>> -> memref<1x128xi32, #tpu.memory_space<vmem>>
    %dma_wait3A_27 = tpu.memref_squeeze %dma_wait3A_26 : memref<1x128xi32, #tpu.memory_space<vmem>> -> memref<128xi32, #tpu.memory_space<vmem>>
    %dma_wait3A_28 = arith.constant 0 : i32
    %dma_wait3A_29 = arith.constant 0 : i32
    %dma_wait3A_30 = tpu.memref_slice %arg12[%dma_wait3A_28, %dma_wait3A_29] : memref<10112x32xf32, #tpu.memory_space<vmem_shared>> -> memref<10112x32xf32, #tpu.memory_space<vmem_shared>>
    tpu.wait_indirect_dma semaphore(%arg16 : memref<!tpu.dma_semaphore, #tpu.memory_space<semaphore_mem>>) src(%arg9 : memref<128x32xf32, #tpu.memory_space<vmem>>) dst(%dma_wait3A_30 : memref<10112x32xf32, #tpu.memory_space<vmem_shared>>)
    %dma_wait3A_31 = arith.constant 79 : i32
    %dma_wait3A_32 = arith.constant 0 : i32
    %dma_wait3A_33 = tpu.memref_slice %arg8[%dma_wait3A_31, %dma_wait3A_32] : memref<80x128xi32, #tpu.memory_space<vmem>> -> memref<1x128xi32, #tpu.memory_space<vmem>>
    %dma_wait3A_34 = tpu.memref_squeeze %dma_wait3A_33 : memref<1x128xi32, #tpu.memory_space<vmem>> -> memref<128xi32, #tpu.memory_space<vmem>>
    %dma_wait3A_35 = arith.constant 0 : i32
    %dma_wait3A_36 = arith.constant 0 : i32
    %dma_wait3A_37 = tpu.memref_slice %arg12[%dma_wait3A_35, %dma_wait3A_36] : memref<10112x32xf32, #tpu.memory_space<vmem_shared>> -> memref<10112x32xf32, #tpu.memory_space<vmem_shared>>
    tpu.wait_indirect_dma semaphore(%arg17 : memref<!tpu.dma_semaphore, #tpu.memory_space<semaphore_mem>>) src(%arg10 : memref<128x32xf32, #tpu.memory_space<vmem>>) dst(%dma_wait3A_37 : memref<10112x32xf32, #tpu.memory_space<vmem_shared>>)
    %barrier3A_38 = arith.constant 0 : index
    tpu.barrier barrier_id(%barrier3A_38)
    "tpu.region"() ({
      %run_scoped3A = tpu.sem_alloc : memref<!tpu.dma_semaphore, #tpu.memory_space<semaphore_mem>>
      %dma_start3A_39 = arith.constant 0 : i32
      %dma_start3A_40 = tpu.memref_slice %arg6[%arg0, %mul3A_6, %dma_start3A_39] : memref<2x10112x32xf32, #tpu.memory_space<hbm>> -> memref<1x632x32xf32, #tpu.memory_space<hbm>>
      %dma_start3A_41 = tpu.memref_squeeze %dma_start3A_40 : memref<1x632x32xf32, #tpu.memory_space<hbm>> -> memref<632x32xf32, #tpu.memory_space<hbm>>
      %dma_start3A_42 = arith.constant 0 : i32
      %dma_start3A_43 = tpu.memref_slice %arg12[%mul3A_6, %dma_start3A_42] : memref<10112x32xf32, #tpu.memory_space<vmem_shared>> -> memref<632x32xf32, #tpu.memory_space<vmem_shared>>
      tpu.enqueue_dma source(%dma_start3A_43 : memref<632x32xf32, #tpu.memory_space<vmem_shared>>) target(%dma_start3A_41 : memref<632x32xf32, #tpu.memory_space<hbm>>) target_semaphore(%run_scoped3A : memref<!tpu.dma_semaphore, #tpu.memory_space<semaphore_mem>>)
      %dma_wait3A_44 = arith.constant 0 : i32
      %dma_wait3A_45 = tpu.memref_slice %arg6[%arg0, %mul3A_6, %dma_wait3A_44] : memref<2x10112x32xf32, #tpu.memory_space<hbm>> -> memref<1x632x32xf32, #tpu.memory_space<hbm>>
      %dma_wait3A_46 = tpu.memref_squeeze %dma_wait3A_45 : memref<1x632x32xf32, #tpu.memory_space<hbm>> -> memref<632x32xf32, #tpu.memory_space<hbm>>
      %dma_wait3A_47 = arith.constant 0 : i32
      %dma_wait3A_48 = tpu.memref_slice %arg12[%mul3A_6, %dma_wait3A_47] : memref<10112x32xf32, #tpu.memory_space<vmem_shared>> -> memref<632x32xf32, #tpu.memory_space<vmem_shared>>
      tpu.wait_dma2 semaphore(%run_scoped3A : memref<!tpu.dma_semaphore, #tpu.memory_space<semaphore_mem>>) src(%dma_wait3A_48 : memref<632x32xf32, #tpu.memory_space<vmem_shared>>) dst(%dma_wait3A_46 : memref<632x32xf32, #tpu.memory_space<hbm>>)
      tpu.yield
    }) : () -> ()
    return
  }
}

module attributes {stable_mosaic.version = 14 : i64} {
  func.func @_mm1_body(%arg0: memref<10112x128xf32, #tpu.memory_space<vmem>>, %arg1: memref<128x32xf32, #tpu.memory_space<vmem>>, %arg2: memref<10112x32xf32, #tpu.memory_space<vmem>>) attributes {dimension_semantics = [], scalar_prefetch = 0 : i64, scratch_operands = 0 : i64, tpu.core_type = #tpu.core_type<tc>} {
    %get3A = arith.constant 0 : index
    %get3A_0 = arith.constant 0 : index
    %get3A_1 = vector.load %arg0[%get3A, %get3A_0] : memref<10112x128xf32, #tpu.memory_space<vmem>>, vector<10112x128xf32>
    %get3A_2 = arith.constant 0 : index
    %get3A_3 = arith.constant 0 : index
    %get3A_4 = vector.load %arg1[%get3A_2, %get3A_3] : memref<128x32xf32, #tpu.memory_space<vmem>>, vector<128x32xf32>
    %dot_general3A = arith.constant dense<0.000000e+00> : vector<10112x32xf32>
    %dot_general3A_5 = tpu.matmul %get3A_1, %get3A_4, %dot_general3A {dimension_numbers = #tpu.dot_dimension_numbers<[1], [0], [0], [1], [0, 0, 1, 1], [], []>, transpose_lhs_hint = false} : vector<10112x128xf32>, vector<128x32xf32>, vector<10112x32xf32> -> vector<10112x32xf32>
    %swap3A = arith.constant 0 : index
    %swap3A_6 = arith.constant 0 : index
    %swap3A_7 = vector.load %arg2[%swap3A, %swap3A_6] : memref<10112x32xf32, #tpu.memory_space<vmem>>, vector<10112x32xf32>
    tpu.vector_store %arg2[%swap3A, %swap3A_6], %dot_general3A_5 {strides = array<i32>} : memref<10112x32xf32, #tpu.memory_space<vmem>>, vector<10112x32xf32>,
    return
  }
}

module attributes {stable_mosaic.version = 14 : i64} {
  func.func @_scale_body(%arg0: memref<2x10112x16xf32, #tpu.memory_space<vmem>>, %arg1: memref<10112x32xf32, #tpu.memory_space<vmem>>, %arg2: memref<10112x32xf32, #tpu.memory_space<vmem>>, %arg3: memref<10112x1xf32, #tpu.memory_space<vmem>>, %arg4: memref<10112x1xf32, #tpu.memory_space<vmem>>) attributes {dimension_semantics = [], scalar_prefetch = 0 : i64, scratch_operands = 0 : i64, tpu.core_type = #tpu.core_type<tc>} {
    %get3A = arith.constant 0 : index
    %get3A_0 = arith.constant 0 : index
    %get3A_1 = arith.constant 0 : index
    %get3A_2 = vector.load %arg0[%get3A, %get3A_0, %get3A_1] : memref<2x10112x16xf32, #tpu.memory_space<vmem>>, vector<1x10112x1xf32>
    %get3A_3 = vector.shape_cast %get3A_2 : vector<1x10112x1xf32> to vector<10112x1xf32>
    %get3A_4 = arith.constant 1 : index
    %get3A_5 = arith.constant 0 : index
    %get3A_6 = arith.constant 0 : index
    %get3A_7 = vector.load %arg0[%get3A_4, %get3A_5, %get3A_6] : memref<2x10112x16xf32, #tpu.memory_space<vmem>>, vector<1x10112x1xf32>
    %get3A_8 = vector.shape_cast %get3A_7 : vector<1x10112x1xf32> to vector<10112x1xf32>
    %add3A = arith.addf %get3A_3, %get3A_8 : vector<10112x1xf32>
    %add3A_9 = arith.constant 1.000000e+00 : f32
    %add3A_10 = vector.broadcast %add3A_9 : f32 to vector<10112x1xf32>
    %add3A_11 = arith.addf %add3A, %add3A_10 : vector<10112x1xf32>
    %rsqrt3A = math.rsqrt %add3A_11 : vector<10112x1xf32>
    %swap3A = arith.constant 0 : index
    %swap3A_12 = arith.constant 0 : index
    %swap3A_13 = vector.load %arg3[%swap3A, %swap3A_12] : memref<10112x1xf32, #tpu.memory_space<vmem>>, vector<10112x1xf32>
    tpu.vector_store %arg3[%swap3A, %swap3A_12], %rsqrt3A {strides = array<i32>} : memref<10112x1xf32, #tpu.memory_space<vmem>>, vector<10112x1xf32>,
    %div3A = arith.constant 1.000000e+00 : f32
    %div3A_14 = vector.broadcast %div3A : f32 to vector<10112x1xf32>
    %div3A_15 = arith.divf %div3A_14, %add3A_11 : vector<10112x1xf32>
    %swap3A_16 = arith.constant 0 : index
    %swap3A_17 = arith.constant 0 : index
    %swap3A_18 = vector.load %arg4[%swap3A_16, %swap3A_17] : memref<10112x1xf32, #tpu.memory_space<vmem>>, vector<10112x1xf32>
    tpu.vector_store %arg4[%swap3A_16, %swap3A_17], %div3A_15 {strides = array<i32>} : memref<10112x1xf32, #tpu.memory_space<vmem>>, vector<10112x1xf32>,
    %get3A_19 = arith.constant 0 : index
    %get3A_20 = arith.constant 0 : index
    %get3A_21 = vector.load %arg1[%get3A_19, %get3A_20] : memref<10112x32xf32, #tpu.memory_space<vmem>>, vector<10112x32xf32>
    %mul3A = vector.broadcast %rsqrt3A : vector<10112x1xf32> to vector<10112x32xf32>
    %mul3A_22 = arith.mulf %get3A_21, %mul3A : vector<10112x32xf32>
    %swap3A_23 = arith.constant 0 : index
    %swap3A_24 = arith.constant 0 : index
    %swap3A_25 = vector.load %arg2[%swap3A_23, %swap3A_24] : memref<10112x32xf32, #tpu.memory_space<vmem>>, vector<10112x32xf32>
    tpu.vector_store %arg2[%swap3A_23, %swap3A_24], %mul3A_22 {strides = array<i32>} : memref<10112x32xf32, #tpu.memory_space<vmem>>, vector<10112x32xf32>,
    return
  }
}

module attributes {stable_mosaic.version = 14 : i64} {
  func.func @_layer1_body(%arg0: memref<2x10112x32xf32, #tpu.memory_space<vmem>>, %arg1: memref<10112x1xf32, #tpu.memory_space<vmem>>, %arg2: memref<10112x1xf32, #tpu.memory_space<vmem>>, %arg3: memref<10112x32xf32, #tpu.memory_space<vmem>>, %arg4: memref<1x32xf32, #tpu.memory_space<vmem>>, %arg5: memref<32x32xf32, #tpu.memory_space<vmem>>, %arg6: memref<10112x32xf32, #tpu.memory_space<vmem>>, %arg7: memref<10112x32xf32, #tpu.memory_space<vmem>>) attributes {dimension_semantics = [], scalar_prefetch = 0 : i64, scratch_operands = 0 : i64, tpu.core_type = #tpu.core_type<tc>} {
    %get3A = arith.constant 0 : index
    %get3A_0 = arith.constant 0 : index
    %get3A_1 = vector.load %arg1[%get3A, %get3A_0] : memref<10112x1xf32, #tpu.memory_space<vmem>>, vector<10112x1xf32>
    %get3A_2 = arith.constant 0 : index
    %get3A_3 = arith.constant 0 : index
    %get3A_4 = arith.constant 0 : index
    %get3A_5 = vector.load %arg0[%get3A_2, %get3A_3, %get3A_4] : memref<2x10112x32xf32, #tpu.memory_space<vmem>>, vector<1x10112x32xf32>
    %get3A_6 = vector.shape_cast %get3A_5 : vector<1x10112x32xf32> to vector<10112x32xf32>
    %get3A_7 = arith.constant 1 : index
    %get3A_8 = arith.constant 0 : index
    %get3A_9 = arith.constant 0 : index
    %get3A_10 = vector.load %arg0[%get3A_7, %get3A_8, %get3A_9] : memref<2x10112x32xf32, #tpu.memory_space<vmem>>, vector<1x10112x32xf32>
    %get3A_11 = vector.shape_cast %get3A_10 : vector<1x10112x32xf32> to vector<10112x32xf32>
    %add3A = arith.addf %get3A_6, %get3A_11 : vector<10112x32xf32>
    %mul3A = vector.broadcast %get3A_1 : vector<10112x1xf32> to vector<10112x32xf32>
    %mul3A_12 = arith.mulf %mul3A, %add3A : vector<10112x32xf32>
    %get3A_13 = arith.constant 0 : index
    %get3A_14 = arith.constant 0 : index
    %get3A_15 = vector.load %arg3[%get3A_13, %get3A_14] : memref<10112x32xf32, #tpu.memory_space<vmem>>, vector<10112x32xf32>
    %get3A_16 = arith.constant 0 : index
    %get3A_17 = arith.constant 0 : index
    %get3A_18 = vector.load %arg2[%get3A_16, %get3A_17] : memref<10112x1xf32, #tpu.memory_space<vmem>>, vector<10112x1xf32>
    %mul3A_19 = vector.broadcast %get3A_18 : vector<10112x1xf32> to vector<10112x32xf32>
    %mul3A_20 = arith.mulf %get3A_15, %mul3A_19 : vector<10112x32xf32>
    %add3A_21 = arith.addf %mul3A_12, %mul3A_20 : vector<10112x32xf32>
    %get3A_22 = arith.constant 0 : index
    %get3A_23 = arith.constant 0 : index
    %get3A_24 = vector.load %arg4[%get3A_22, %get3A_23] : memref<1x32xf32, #tpu.memory_space<vmem>>, vector<1x32xf32>
    %add3A_25 = vector.broadcast %get3A_24 : vector<1x32xf32> to vector<10112x32xf32>
    %add3A_26 = arith.addf %add3A_21, %add3A_25 : vector<10112x32xf32>
    %max3A = arith.constant 0.000000e+00 : f32
    %max3A_27 = vector.broadcast %max3A : f32 to vector<10112x32xf32>
    %max3A_28 = arith.maximumf %add3A_26, %max3A_27 : vector<10112x32xf32>
    %get3A_29 = arith.constant 0 : index
    %get3A_30 = arith.constant 0 : index
    %get3A_31 = vector.load %arg5[%get3A_29, %get3A_30] : memref<32x32xf32, #tpu.memory_space<vmem>>, vector<32x32xf32>
    %dot_general3A = arith.constant dense<0.000000e+00> : vector<10112x32xf32>
    %dot_general3A_32 = tpu.matmul %max3A_28, %get3A_31, %dot_general3A {dimension_numbers = #tpu.dot_dimension_numbers<[1], [0], [0], [1], [0, 0, 1, 1], [], []>, transpose_lhs_hint = false} : vector<10112x32xf32>, vector<32x32xf32>, vector<10112x32xf32> -> vector<10112x32xf32>
    %swap3A = arith.constant 0 : index
    %swap3A_33 = arith.constant 0 : index
    %swap3A_34 = vector.load %arg6[%swap3A, %swap3A_33] : memref<10112x32xf32, #tpu.memory_space<vmem>>, vector<10112x32xf32>
    tpu.vector_store %arg6[%swap3A, %swap3A_33], %dot_general3A_32 {strides = array<i32>} : memref<10112x32xf32, #tpu.memory_space<vmem>>, vector<10112x32xf32>,
    %get3A_35 = arith.constant 0 : index
    %get3A_36 = arith.constant 0 : index
    %get3A_37 = vector.load %arg1[%get3A_35, %get3A_36] : memref<10112x1xf32, #tpu.memory_space<vmem>>, vector<10112x1xf32>
    %mul3A_38 = vector.broadcast %get3A_37 : vector<10112x1xf32> to vector<10112x32xf32>
    %mul3A_39 = arith.mulf %dot_general3A_32, %mul3A_38 : vector<10112x32xf32>
    %swap3A_40 = arith.constant 0 : index
    %swap3A_41 = arith.constant 0 : index
    %swap3A_42 = vector.load %arg7[%swap3A_40, %swap3A_41] : memref<10112x32xf32, #tpu.memory_space<vmem>>, vector<10112x32xf32>
    tpu.vector_store %arg7[%swap3A_40, %swap3A_41], %mul3A_39 {strides = array<i32>} : memref<10112x32xf32, #tpu.memory_space<vmem>>, vector<10112x32xf32>,
    return
  }
}

module attributes {stable_mosaic.version = 14 : i64} {
  func.func @_final_body(%arg0: memref<2x10112x32xf32, #tpu.memory_space<vmem>>, %arg1: memref<10112x1xf32, #tpu.memory_space<vmem>>, %arg2: memref<10112x1xf32, #tpu.memory_space<vmem>>, %arg3: memref<10112x32xf32, #tpu.memory_space<vmem>>, %arg4: memref<1x32xf32, #tpu.memory_space<vmem>>, %arg5: memref<10000x16xf32, #tpu.memory_space<vmem>>, %arg6: memref<10000x16xf32, #tpu.memory_space<vmem>>) attributes {dimension_semantics = [], scalar_prefetch = 0 : i64, scratch_operands = 0 : i64, tpu.core_type = #tpu.core_type<tc>} {
    %get3A = arith.constant 0 : index
    %get3A_0 = arith.constant 0 : index
    %get3A_1 = vector.load %arg1[%get3A, %get3A_0] : memref<10112x1xf32, #tpu.memory_space<vmem>>, vector<10112x1xf32>
    %get3A_2 = arith.constant 0 : index
    %get3A_3 = arith.constant 0 : index
    %get3A_4 = arith.constant 0 : index
    %get3A_5 = vector.load %arg0[%get3A_2, %get3A_3, %get3A_4] : memref<2x10112x32xf32, #tpu.memory_space<vmem>>, vector<1x10112x32xf32>
    %get3A_6 = vector.shape_cast %get3A_5 : vector<1x10112x32xf32> to vector<10112x32xf32>
    %get3A_7 = arith.constant 1 : index
    %get3A_8 = arith.constant 0 : index
    %get3A_9 = arith.constant 0 : index
    %get3A_10 = vector.load %arg0[%get3A_7, %get3A_8, %get3A_9] : memref<2x10112x32xf32, #tpu.memory_space<vmem>>, vector<1x10112x32xf32>
    %get3A_11 = vector.shape_cast %get3A_10 : vector<1x10112x32xf32> to vector<10112x32xf32>
    %add3A = arith.addf %get3A_6, %get3A_11 : vector<10112x32xf32>
    %mul3A = vector.broadcast %get3A_1 : vector<10112x1xf32> to vector<10112x32xf32>
    %mul3A_12 = arith.mulf %mul3A, %add3A : vector<10112x32xf32>
    %get3A_13 = arith.constant 0 : index
    %get3A_14 = arith.constant 0 : index
    %get3A_15 = vector.load %arg3[%get3A_13, %get3A_14] : memref<10112x32xf32, #tpu.memory_space<vmem>>, vector<10112x32xf32>
    %get3A_16 = arith.constant 0 : index
    %get3A_17 = arith.constant 0 : index
    %get3A_18 = vector.load %arg2[%get3A_16, %get3A_17] : memref<10112x1xf32, #tpu.memory_space<vmem>>, vector<10112x1xf32>
    %mul3A_19 = vector.broadcast %get3A_18 : vector<10112x1xf32> to vector<10112x32xf32>
    %mul3A_20 = arith.mulf %get3A_15, %mul3A_19 : vector<10112x32xf32>
    %add3A_21 = arith.addf %mul3A_12, %mul3A_20 : vector<10112x32xf32>
    %get3A_22 = arith.constant 0 : index
    %get3A_23 = arith.constant 0 : index
    %get3A_24 = vector.load %arg4[%get3A_22, %get3A_23] : memref<1x32xf32, #tpu.memory_space<vmem>>, vector<1x32xf32>
    %add3A_25 = vector.broadcast %get3A_24 : vector<1x32xf32> to vector<10112x32xf32>
    %add3A_26 = arith.addf %add3A_21, %add3A_25 : vector<10112x32xf32>
    %slice3A = vector.extract_strided_slice %add3A_26 {offsets = [0, 0], sizes = [10000, 16], strides = [1, 1]} : vector<10112x32xf32> to vector<10000x16xf32>
    %slice3A_27 = vector.extract_strided_slice %add3A_26 {offsets = [0, 16], sizes = [10000, 16], strides = [1, 1]} : vector<10112x32xf32> to vector<10000x16xf32>
    %min3A = arith.constant 1.000000e+01 : f32
    %min3A_28 = vector.broadcast %min3A : f32 to vector<10000x16xf32>
    %min3A_29 = arith.minimumf %slice3A_27, %min3A_28 : vector<10000x16xf32>
    %get3A_30 = arith.constant 0 : index
    %get3A_31 = arith.constant 0 : index
    %get3A_32 = vector.load %arg5[%get3A_30, %get3A_31] : memref<10000x16xf32, #tpu.memory_space<vmem>>, vector<10000x16xf32>
    %exp3A = math.exp %min3A_29 : vector<10000x16xf32>
    %mul3A_33 = arith.mulf %get3A_32, %exp3A : vector<10000x16xf32>
    %add3A_34 = arith.addf %slice3A, %mul3A_33 : vector<10000x16xf32>
    %swap3A = arith.constant 0 : index
    %swap3A_35 = arith.constant 0 : index
    %swap3A_36 = vector.load %arg6[%swap3A, %swap3A_35] : memref<10000x16xf32, #tpu.memory_space<vmem>>, vector<10000x16xf32>
    tpu.vector_store %arg6[%swap3A, %swap3A_35], %add3A_34 {strides = array<i32>} : memref<10000x16xf32, #tpu.memory_space<vmem>>, vector<10000x16xf32>,
    return
  }
}

</mosaic_0001>

<sc_bundles>
// kernel: kernel.12.cloned.1.call-start
scs
__scs_entry_jumppad:
0x0: {  	(pc) =	sbr.rel $0x88, $3  }
0x1: {  	(tag) =	ssettag $0x0;
	lr =	simm.s32 $0x1  }
0x2: {  	[smem:$0x3F99] =	sst lr;
	_ =	strace $0xD0000000  }
0x3: {  	_ = 	snop  }
0x4: {  	_ = 	snop  }
0x5: {  	_ = 	snop  }
0x6: {  	_ = 	snop  }
0x7: {  	_ = 	snop  }
__scs_overlays_trampoline_lowered:
0x8: {  	[smem:$0x3FA8] =	sst s0  }
0x9: {  	[smem:$0x3FA9] =	sst s1  }
0xa: {  	[smem:$0x3FAA] =	sst s2  }
0xb: {  	[smem:$0x3FAB] =	sst s3  }
0xc: {  	[smem:$0x3FAC] =	sst s4  }
0xd: {  	[smem:$0x3FAD] =	sst s5  }
0xe: {  	[smem:$0x3FAE] =	sst s6  }
0xf: {  	[smem:$0x3FAF] =	sst s7  }
0x10: {  	[smem:$0x3FB0] =	sst s8  }
0x11: {  	[smem:$0x3FB1] =	sst s9;
	s0 =	simm.s32 @!p0 $0x0  }
0x12: {  	s1 =	sld [smem:$0x3F97];
	s0 =	simm.s32 @p0 $0x1  }
0x13: {  	[smem:$0x3FB2] =	sst s0;
	s0 =	simm.s32 @!p1 $0x0  }
0x14: {  	s2 =	sld [smem:$0x3F96];
	s0 =	simm.s32 @p1 $0x1  }
0x15: {  	[smem:$0x3FB3] =	sst s0;
	s0 =	simm.s32 @!p2 $0x0  }
0x16: {  	s3 =	sld [smem:$0x3FDB];
	s0 =	simm.s32 @p2 $0x1  }
0x17: {  	s4 =	simm.s32 $0x1BF5;
	[smem:$0x3FB5] =	sst s0  }
0x18: {  	s0 =	sld [smem:$0x3F98];
	_ =	swait.ge [sflag:s4], $0x0  }
0x19: {  	s7 =	sld [smem:$0x3F99]  }
0x1a: {  	s8 =	sadd.s32 $0xFFFFE003, lr  }
0x1b: {  	s9 =	sadd.s32 $0xFFFFFEF7, lr;
	s5 =	simm.s32 $0xFFFFFFFF;
	p2 =	slt.u32 s8, $0xFFFFF086  }
0x1c: {  	p1 =	slt.u32 s9, $0xF7A;
	s5 =	simm.s32 @!p2 $0x0  }
0x1d: {  	s5 =	simm.s32 @p1 $0x1;
	p0 =	seq.s32 s7, s2  }
0x1e: {  	s7 =	smul.u32 @!p0 $0xF7A, s2;
	p2 =	seq.s32 @!p0 s5, $0x0  }
0x1f: {  	s9 =	smul.u32 $0xF7A, s1;
	s8 =	simm.s32 @!p0 $0x1BF5;
	p2 =	por !p2, p0  }
0x20: {  	[sflag:s8] =	ssyncset.s32 @!p0 $0xFFFFF086;
	s6 =	sadd.s32 @!p0 s3, s7;
	s7 =	simm.s32 @!p0 $0x108  }
0x21: {  	s3 =	sadd.s32 s3, s9;
	s6 =	sadd.s32 @!p0 $0x88, s6;
	s7 =	simm.s32 @p2 $0x1082  }
0x22: {  	[simem:s7], [sflag:s8] =	dma.local @!p0 [hbm:s6], $0xF7A  }
0x23: {  	s9 =	sor.u32 $0xD0000000, s2;
	s6 =	simm.s32 $0x108;
	_ =	swait.ge @!p0 [sflag:s8], $0x0  }
0x24: {  	s3 =	sadd.s32 $0x88, s3;
	s6 =	simm.s32 @!p1 $0x1082;
	[sflag:s4] =	ssyncset.s32 $0xFFFFF086  }
0x25: {  	[simem:s6], [sflag:s4] =	dma.local [hbm:s3], $0xF7A  }
0x26: {  	[smem:$0x3F99] =	sst s1;
	(tag) =	ssettag s2;
	_ =	strace s9  }
0x27: {  	s1 =	sld [smem:$0x3FA9]  }
0x28: {  	s2 =	sld [smem:$0x3FAA]  }
0x29: {  	s4 =	sld [smem:$0x3FAC]  }
0x2a: {  	p0 =	seq.s32 s5, $0x0;
	s5 =	sld [smem:$0x3FAD]  }
0x2b: {  	s6 =	sld [smem:$0x3FAE]  }
0x2c: {  	s7 =	sld [smem:$0x3FAF]  }
0x2d: {  	s3 =	simm.s32 $0x108;
	s8 =	sld [smem:$0x3FB0]  }
0x2e: {  	s3 =	simm.s32 @!p0 $0x1082;
	s9 =	sld [smem:$0x3FB1]  }
0x2f: {  	lr =	sadd.s32 s0, s3;
	s0 =	sld [smem:$0x3FA8]  }
0x30: {  	s3 =	sld [smem:$0x3FAB]  }
0x31: {  	[smem:$0x3FB4] =	sst s10  }
0x32: {  	s10 =	sld [smem:$0x3FB2];
	_ =	sdelay $0x3  }
0x33: {  	p0 =	seq.s32 s10, $0x1;
	s10 =	sld [smem:$0x3FB4];
	_ =	sdelay $0x3  }
0x34: {  	[smem:$0x3FB4] =	sst s10  }
0x35: {  	s10 =	sld [smem:$0x3FB3];
	_ =	sdelay $0x3  }
0x36: {  	p1 =	seq.s32 s10, $0x1;
	s10 =	sld [smem:$0x3FB4];
	_ =	sdelay $0x3  }
0x37: {  	[smem:$0x3FB4] =	sst s10  }
0x38: {  	s10 =	sld [smem:$0x3FB5]  }
0x39: {  	_ = 	snop;
	(pc) =	sbr.ind lr, $3  }
0x3a: {  	_ = 	snop  }
0x3b: {  	_ = 	snop  }
0x3c: {  	p2 =	seq.s32 s10, $0x1;
	s10 =	sld [smem:$0x3FB4]  }
0x3d: {  	_ =	shalt  }
0x3e: {  	_ =	shalt  }
0x3f: {  	_ =	shalt  }
0x40: {  	_ =	shalt  }
0x41: {  	_ =	shalt  }
0x42: {  	_ =	shalt  }
0x43: {  	_ =	shalt  }
0x44: {  	_ =	shalt  }
0x45: {  	_ =	shalt  }
0x46: {  	_ =	shalt  }
0x47: {  	_ =	shalt  }
0x48: {  	_ =	shalt  }
0x49: {  	_ =	shalt  }
0x4a: {  	_ =	shalt  }
0x4b: {  	_ =	shalt  }
0x4c: {  	_ =	shalt  }
0x4d: {  	_ =	shalt  }
0x4e: {  	_ =	shalt  }
0x4f: {  	_ =	shalt  }
0x50: {  	_ =	shalt  }
0x51: {  	_ =	shalt  }
0x52: {  	_ =	shalt  }
0x53: {  	_ =	shalt  }
0x54: {  	_ =	shalt  }
0x55: {  	_ =	shalt  }
0x56: {  	_ =	shalt  }
0x57: {  	_ =	shalt  }
0x58: {  	_ =	shalt  }
0x59: {  	_ =	shalt  }
0x5a: {  	_ =	shalt  }
0x5b: {  	_ =	shalt  }
0x5c: {  	_ =	shalt  }
0x5d: {  	_ =	shalt  }
0x5e: {  	_ =	shalt  }
0x5f: {  	_ =	shalt  }
0x60: {  	_ =	shalt  }
0x61: {  	_ =	shalt  }
0x62: {  	_ =	shalt  }
0x63: {  	_ =	shalt  }
0x64: {  	_ =	shalt  }
0x65: {  	_ =	shalt  }
0x66: {  	_ =	shalt  }
0x67: {  	_ =	shalt  }
0x68: {  	_ =	shalt  }
0x69: {  	_ =	shalt  }
0x6a: {  	_ =	shalt  }
0x6b: {  	_ =	shalt  }
0x6c: {  	_ =	shalt  }
0x6d: {  	_ =	shalt  }
0x6e: {  	_ =	shalt  }
0x6f: {  	_ =	shalt  }
0x70: {  	_ =	shalt  }
0x71: {  	_ =	shalt  }
0x72: {  	_ =	shalt  }
0x73: {  	_ =	shalt  }
0x74: {  	_ =	shalt  }
0x75: {  	_ =	shalt  }
0x76: {  	_ =	shalt  }
0x77: {  	_ =	shalt  }
0x78: {  	_ =	shalt  }
0x79: {  	_ =	shalt  }
0x7a: {  	_ =	shalt  }
0x7b: {  	_ =	shalt  }
0x7c: {  	_ =	shalt  }
0x7d: {  	_ =	shalt  }
0x7e: {  	_ =	shalt  }
0x7f: {  	_ =	shalt  }
0x80: {  	_ =	shalt  }
0x81: {  	_ =	shalt  }
0x82: {  	_ =	shalt  }
0x83: {  	_ =	shalt  }
0x84: {  	_ =	shalt  }
0x85: {  	_ =	shalt  }
0x86: {  	_ =	shalt  }
0x87: {  	_ =	shalt  }
.Lfunc_end0:
.L_simem_size_0:
called_computation.1_lowered:
.L_overlay_start_0:
0x88: {  	s2 =	sld [smem:$0x3FD9]  }
0x89: {  	s3 =	sld [smem:$0x3FFE];
	_ =	sdelay $0x1  }
0x8a: {  	s1 =	srdreg.scid  }
0x8b: {  	s0 =	sand.u32 $0x1, s1  }
0x8c: {  	s16 =	sshll.u32 s0, $0xA;
	s2 =	sadd.s32 s3, s2  }
0x8d: {  	s2 =	sadd.s32 s2, s16  }
0x8e: {  	[smem:$0x3FC0] =	sst s2  }
0x8f: {  	_ = 	snop  }
0x90: {  	(tm) =	ssettm $0x1  }
0x91: {  	s17 =	sld [smem:$0x3FFB];
	_ =	sdelay $0x3  }
0x92: {  	_ =	strace s17  }
0x93: {  	s2 =	sld [smem:$0x3FFC];
	_ =	sdelay $0x3  }
0x94: {  	_ =	strace s2  }
0x95: {  	s2 =	sld [smem:$0x3FFD];
	_ =	sdelay $0x3  }
0x96: {  	_ =	strace s2  }
0x97: {  	_ =	strace $0x8FFFFFFF  }
0x98: {  	s18 =	sld [smem:$0x3FDB];
	_ =	sdelay $0x1  }
0x99: {  	s19 =	simm.s32 $_scs_section_size  }
0x9a: {  	s4 =	simm.s32 $_size__tile_overlayer_lowered;
	s5 =	simm.s32 $_tile_overlayer_lowered  }
0x9b: {  	s22 =	simm.s32 $0x1BFF;
	s21 =	sshll.u32 s5, $0x1;
	s2 =	sadd.s32 s19, s18  }
0x9c: {  	s6 =	simm.s32 $0x0;
	s20 =	sshll.u32 s4, $0x1;
	s4 =	sadd.s32 s21, s2  }
0x9d: {  	[timem:s6], [sflag:s22] =	dma.local [hbm:s4], s20  }
0x9e: {  	_ =	swait.ge [sflag:s22], s20  }
0x9f: {  	s3 =	ssub.s32 $0x0, s20;
	[sflag:s22] =	ssyncset.done $0x0  }
0xa0: {  	[sflag:s22] =	ssyncadd.s32 s3;
	_ =	sdelay $0x1  }
0xa1: {  	s23 =	simm.s32 $0x1B8B  }
0xa2: {  	_ =	swait.ge [sflag:s23], $0x1  }
0xa3: {  	[sflag:s23] =	ssyncset.done $0x0  }
0xa4: {  	s25 =	simm.s32 $0x1B8E;
	s24 =	sld [smem:$0x3FFE];
	[sflag:s23] =	ssyncadd.s32 $0xFFFFFFFF  }
0xa5: {  	s26 =	simm.s32 $execute0_lowered;
	[smem:$0x3FD2] =	sst s25  }
0xa6: {  	s4 =	sshll.u32 s26, $0x1;
	_ =	strace $0x80000049;
	[dreg:$0x1] =	wrdreg $0xFFFFFFFF  }
0xa7: {  	s28 =	simm.s32 $_size_execute0_lowered;
	s2 =	sadd.s32 s2, s4;
	[dreg:$0x0] =	wrdreg $0x0  }
0xa8: {  	s4 =	sshll.u32 s28, $0x1;
	[dreg:$0x2] =	wrdreg s2  }
0xa9: {  	[dreg:$0x3] =	wrdreg s4  }
0xaa: {  	[dreg:$0x4] =	wrdreg $0xC0  }
0xab: {  	_ =	task [dreg:s6], $0x5FFFF  }
0xac: {  	[dreg:$0x1] =	wrdreg $0xFFFFFFFF  }
0xad: {  	[dreg:$0x0] =	wrdreg $0x60  }
0xae: {  	[dreg:$0x2] =	wrdreg s24  }
0xaf: {  	[dreg:$0x3] =	wrdreg $0x10E000  }
0xb0: {  	[dreg:$0x4] =	wrdreg $0xBF000  }
0xb1: {  	[dreg:$0x5] =	wrdreg $0x9  }
0xb2: {  	_ =	task.clear_ibuf [dreg:s6], $0x6FFFF;
	_ =	strace $0x90000049  }
0xb3: {  	s29 =	simm.s32 $0x9;
	_ =	strace $0x8000004B  }
0xb4: {  	_ =	swait.ge [sflag:s29], $0x1  }
0xb5: {  	[sflag:s29] =	ssyncadd.s32 $0xFFFFFFFF  }
0xb6: {  	_ =	strace $0x9000004B  }
0xb7: {  	_ =	sfence  }
0xb8: {  	s30 =	sld [smem:$0x0];
	_ =	sdelay $0x2  }
0xb9: {  	s31 =	sshll.u32 s1, $0xD;
	s1 =	sshrl.u32 s1, $0x2  }
0xba: {  	s3 =	sand.u32 $0x4000, s31;
	s1 =	sadd.s32 s1, s30  }
0xbb: {  	s0 =	sor.u32 s3, s0;
	s1 =	sshll.u32 s1, $0x11  }
0xbc: {  	s0 =	sor.u32 s1, s0  }
0xbd: {  	s0 =	sadd.s32 $0x8F2B, s0  }
0xbe: {  	[sflag:s0] =	ssyncadd.remote.s32 $0x1  }
0xbf: {  	_ =	sfence.sel $0xFFFF  }
0xc0: {  	[dreg:$0x0] =	wrdreg $0xFFFFFFFF;
	(pc) =	sbr.abs _section_cstart, $3  }
0xc1: {  	[dreg:$0x1] =	wrdreg $0xFFFFFFFF  }
0xc2: {  	_ =	task.clear_ibuf [dreg:s6], $0x2FFFF;
	_ =	strace $0x9FFFFFFF  }
0xc3: {  	(tm) =	ssettm $0x7FFFFFFF  }
tec
execute0_lowered:
.L_overlay_start_1:
0x0: {  	(tag) =	ssettag $0x1  }
0x1: {  	s5 =	rddreg [dreg:$0x0]  }
0x2: {  	s1 =	srdreg.scid;
	s2 =	rddreg [dreg:$0x1]  }
0x3: {  	s0 =	stileid.u32;
	s3 =	rddreg [dreg:$0x2];
	s4 =	simm.s32 $0x0  }
0x4: {  	s14 =	simm.s32 $0x2800;
	s15 =	simm.s32 $0x7000;
	s16 =	simm.s32 $0x80  }
0x5: {  	s17 =	simm.s32 $0x5000;
	s18 =	simm.s32 $0x6000;
	s19 =	simm.s32 $0x1  }
0x6: {  	s20 =	simm.s32 $0x2;
	s21 =	simm.s32 $0x3;
	s22 =	simm.s32 $0x4  }
0x7: {  	s23 =	simm.s32 $0x4F00;
	s24 =	simm.s32 $0x4F80;
	s25 =	simm.s32 $0x0  }
0x8: {  	s6 =	sand.u32 $0x1, s1;
	s31 =	sshll.u32 s0, $0x1;
	s10 =	smul.u32 $0x4F00, s0  }
0x9: {  	[smem:$0x7FF] =	sst s4;
	s1 =	sor.u32 s6, s31;
	s8 =	smul.u32 $0x4F000, s6  }
0xa: {  	s6 =	ssub.s32 $0x2, s6;
	s7 =	smul.u32 $0x500, s1;
	s1 =	rddreg [dreg:$0x3]  }
0xb: {  	_ =	strace $0x8000004A;
	s9 =	sshrl.u32 s10, $0x3;
	s8 =	sadd.s32 s10, s8  }
0xc: {  	s11 =	sshrl.u32 s6, $0x1;
	s9 =	sadd.s32 s9, s5;
	s8 =	sshrl.u32 s8, $0x3  }
0xd: {  	s13 =	ssub.s32 s6, s11;
	s7 =	sadd.s32 s7, s5;
	s12 =	sadd.s32 s8, s5  }
0xe: {  	s5 =	sadd.s32 $0x3D800, s7;
	s6 =	sadd.s32 $0x2200, s7;
	s7 =	sadd.s32 $0xC200, s9  }
0xf: {  	s8 =	sadd.s32 s10, s2;
	s9 =	sadd.s32 $0x47800, s9;
	s10 =	sadd.s32 s10, s3  }
0x10: {  	s11 =	sadd.s32 $0x51600, s12;
	s12 =	smax.u32 s13, $0x1;
	s13 =	simm.s32 $0x5  }
.LBB2_1:
0x11: {  	[tilespmem:s4], [sflag:$0x5] =	stream.linear.gather [hbm4b:s5+s4], $0x2800, $0x38;
	[tilespmem:$0x15D00] =	vst v63  }
0x12: {  	_ =	swait.ge [sflag:s13], $0x2800  }
0x13: {  	[sflag:s13] =	ssyncset.done $0x0  }
0x14: {  	[sflag:s13] =	ssyncadd.s32 $0xFFFFD800  }
0x15: {  	[tilespmem:s14], [sflag:$0x5] =	stream.linear.gather [hbm4b:s6+s4], $0x2800, $0x38;
	[tilespmem:$0x15D00] =	vst v63  }
0x16: {  	_ =	swait.ge [sflag:s13], $0x2800  }
0x17: {  	[sflag:s13] =	ssyncset.done $0x0  }
0x18: {  	[sflag:s13] =	ssyncadd.s32 $0xFFFFD800  }
0x19: {  	[tilespmem:s15], [sflag:$0x5] =	stream.linear.gather [hbm4b:s7+s4], $0x4F00, $0x38;
	[tilespmem:$0x15D00] =	vst v63  }
0x1a: {  	_ =	swait.ge [sflag:s13], $0x4F00  }
0x1b: {  	[sflag:s13] =	ssyncset.done $0x0  }
0x1c: {  	[sflag:s13] =	ssyncadd.s32 $0xFFFFB100  }
0x1d: {  	[spmem:s8] =	stream.linear.scatter [tilespmem:s15], [sflag:$0x5], $0x4F00, $0x38;
	[tilespmem:$0x15D00] =	vst v63  }
0x1e: {  	_ =	swait.ge [sflag:s13], $0x4F00  }
0x1f: {  	[sflag:s13] =	ssyncset.done $0x0  }
0x20: {  	[sflag:s13] =	ssyncadd.s32 $0xFFFFB100  }
0x21: {  	[tilespmem:s15], [sflag:$0x5] =	stream.linear.gather [hbm4b:s9+s4], $0x4F00, $0x38;
	[tilespmem:$0x15D00] =	vst v63  }
0x22: {  	_ =	swait.ge [sflag:s13], $0x4F00  }
0x23: {  	[sflag:s13] =	ssyncset.done $0x0  }
0x24: {  	[sflag:s13] =	ssyncadd.s32 $0xFFFFB100  }
0x25: {  	[spmem:s10] =	stream.linear.scatter [tilespmem:s15], [sflag:$0x5], $0x4F00, $0x38;
	[tilespmem:$0x15D00] =	vst v63  }
0x26: {  	_ =	swait.ge [sflag:s13], $0x4F00  }
0x27: {  	[sflag:s13] =	ssyncset.done $0x0  }
0x28: {  	[sflag:s13] =	ssyncadd.s32 $0xFFFFB100  }
0x29: {  	[bflag:$0x0] =	sbarrier.arrive $0xFFFF  }
0x2a: {  	[tilespmem:s17], [sflag:$0x1] =	stream.indirect.gather [spmem:s2], $0x20, s4, s16, $0xb8;
	[tilespmem:$0x15D00] =	vst v63  }
0x2b: {  	_ = 	snop  }
0x2c: {  	[tilespmem:s18], [sflag:$0x2] =	stream.indirect.gather [spmem:s2], $0x20, s16, s16, $0xb8;
	[tilespmem:$0x15D00] =	vst v63  }
0x2d: {  	_ =	swait.ge [sflag:s19], $0x1000  }
0x2e: {  	[sflag:s19] =	ssyncset.done $0x0  }
0x2f: {  	s26 =	simm.s32 $0x2800;
	[sflag:s19] =	ssyncadd.s32 $0xFFFFF000  }
0x30: {  	[spmem:s3] =	stream.indirect.scatter.add.f32 [tilespmem:s17], [sflag:$0x3], $0x20, s26, s16, $0xb8;
	[tilespmem:$0x15D00] =	vst v63  }
0x31: {  	_ =	swait.ge [sflag:s20], $0x1000  }
0x32: {  	[sflag:s20] =	ssyncset.done $0x0  }
0x33: {  	s30 =	simm.s32 $0x2880;
	[sflag:s20] =	ssyncadd.s32 $0xFFFFF000  }
0x34: {  	[spmem:s3] =	stream.indirect.scatter.add.f32 [tilespmem:s18], [sflag:$0x4], $0x20, s30, s16, $0xb8;
	[tilespmem:$0x15D00] =	vst v63  }
0x35: {  	_ =	swait.ge [sflag:s21], $0x1000  }
0x36: {  	[sflag:s21] =	ssyncset.done $0x0  }
0x37: {  	s31 =	simm.s32 $0x100;
	[sflag:s21] =	ssyncadd.s32 $0xFFFFF000  }
0x38: {  	[tilespmem:s17], [sflag:$0x1] =	stream.indirect.gather [spmem:s2], $0x20, s31, s16, $0xb8;
	[tilespmem:$0x15D00] =	vst v63  }
0x39: {  	_ =	swait.ge [sflag:s22], $0x1000  }
0x3a: {  	[sflag:s22] =	ssyncset.done $0x0  }
0x3b: {  	s28 =	simm.s32 $0x180;
	s26 =	simm.s32 $0x400;
	[sflag:s22] =	ssyncadd.s32 $0xFFFFF000  }
.LBB2_2:
0x3c: {  	[tilespmem:s18], [sflag:$0x2] =	stream.indirect.gather [spmem:s2], $0x20, s28, s16, $0xb8;
	[tilespmem:$0x15D00] =	vst v63  }
0x3d: {  	s28 =	smov.u32 s26  }
0x3e: {  	p0 =	sne.s32 s26, $0x9800;
	s26 =	sadd.s32 $0x400, s26;
	_ =	swait.ge [sflag:s19], $0x1000  }
0x3f: {  	s28 =	sshra.s32 s28, $0x2;
	[sflag:s19] =	ssyncset.done $0x0  }
0x40: {  	s29 =	sadd.s32 $0x2800, s28;
	[sflag:s19] =	ssyncadd.s32 $0xFFFFF000  }
0x41: {  	[spmem:s3] =	stream.indirect.scatter.add.f32 [tilespmem:s17], [sflag:$0x3], $0x20, s29, s16, $0xb8;
	[tilespmem:$0x15D00] =	vst v63  }
0x42: {  	_ =	swait.ge [sflag:s20], $0x1000  }
0x43: {  	[sflag:s20] =	ssyncset.done $0x0  }
0x44: {  	s29 =	sadd.s32 $0x2880, s28;
	[sflag:s20] =	ssyncadd.s32 $0xFFFFF000  }
0x45: {  	[spmem:s3] =	stream.indirect.scatter.add.f32 [tilespmem:s18], [sflag:$0x4], $0x20, s29, s16, $0xb8;
	[tilespmem:$0x15D00] =	vst v63  }
0x46: {  	_ =	swait.ge [sflag:s21], $0x1000  }
0x47: {  	[sflag:s21] =	ssyncset.done $0x0  }
.Ltmp0:
0x48: {  	s29 =	sadd.s32 $0x100, s28;
	[sflag:s21] =	ssyncadd.s32 $0xFFFFF000;
	(pc) =	sbr.rel @p0 .LBB2_2-.Ltmp0, $4  }
0x49: {  	[tilespmem:s17], [sflag:$0x1] =	stream.indirect.gather [spmem:s2], $0x20, s29, s16, $0xb8;
	[tilespmem:$0x15D00] =	vst v63  }
0x4a: {  	_ =	swait.ge [sflag:s22], $0x1000  }
0x4b: {  	[sflag:s22] =	ssyncset.done $0x0  }
0x4c: {  	s28 =	sadd.s32 $0x180, s28;
	[sflag:s22] =	ssyncadd.s32 $0xFFFFF000  }
0x4d: {  	[tilespmem:s18], [sflag:$0x2] =	stream.indirect.gather [spmem:s2], $0x20, s28, s16, $0xb8;
	[tilespmem:$0x15D00] =	vst v63  }
0x4e: {  	_ =	swait.ge [sflag:s19], $0x1000  }
0x4f: {  	[sflag:s19] =	ssyncset.done $0x0  }
0x50: {  	[sflag:s19] =	ssyncadd.s32 $0xFFFFF000  }
0x51: {  	[spmem:s3] =	stream.indirect.scatter.add.f32 [tilespmem:s17], [sflag:$0x3], $0x20, s23, s16, $0xb8;
	[tilespmem:$0x15D00] =	vst v63  }
0x52: {  	_ =	swait.ge [sflag:s20], $0x1000  }
0x53: {  	[sflag:s20] =	ssyncset.done $0x0  }
0x54: {  	[sflag:s20] =	ssyncadd.s32 $0xFFFFF000  }
0x55: {  	[spmem:s3] =	stream.indirect.scatter.add.f32 [tilespmem:s18], [sflag:$0x4], $0x20, s24, s16, $0xb8;
	[tilespmem:$0x15D00] =	vst v63  }
0x56: {  	_ =	swait.ge [sflag:s21], $0x1000  }
0x57: {  	[sflag:s21] =	ssyncset.done $0x0  }
0x58: {  	[sflag:s21] =	ssyncadd.s32 $0xFFFFF000  }
0x59: {  	_ =	swait.ge [sflag:s22], $0x1000  }
0x5a: {  	s26 =	sshll.u32 s0, $0x6;
	s25 =	sadd.s32 $0x1, s25;
	[sflag:s22] =	ssyncset.done $0x0  }
0x5b: {  	s31 =	sshrl.u32 s10, $0x3;
	p0 =	sne.s32 s25, s12;
	[sflag:s22] =	ssyncadd.s32 $0xFFFFF000  }
.Ltmp1:
0x5c: {  	s26 =	sor.u32 $0x1C05, s26;
	[bflag:$0x0] =	sbarrier.arrive $0xFFFF;
	(pc) =	sbr.rel @p0 .LBB2_1-.Ltmp1, $4  }
0x5d: {  	[hbm:s11], [sflag:s26] =	dma.local [spmem:s31], $0x9E0  }
0x5e: {  	_ =	swait.ge [sflag:s13], $0x9E0  }
0x5f: {  	[sflag:s13] =	ssyncset.done $0x0  }
0x60: {  	[sflag:s13] =	ssyncadd.s32 $0xFFFFF620  }
0x61: {  	_ =	sfence.sel $0x180000  }
0x62: {  	[bflag:$0x0] =	sbarrier.arrive $0xFFFF  }
0x63: {  	p0 =	sne.s32 s0, $0x0;
	_ =	strace $0x9000004A  }
0x64: {  	s0 =	sadd.s32 @!p0 $0x100000, s1;
	[bflag:$0x2] =	sbarrier.arrive $0xFFFF  }
0x65: {  	[sflag:s0] =	ssyncadd.tile.s32 @!p0 $0x1;
	_ =	shalt  }
.Lfunc_end2:
_tile_overlayer_lowered:
.L_overlay_start_2:
0x66: {  	(tag) =	ssettag $0x2  }
0x67: {  	s0 =	rddreg [dreg:$0x0];
	s2 =	stileid.u32  }
0x68: {  	s1 =	rddreg [dreg:$0x1];
	p0 =	sne.s32 s2, $0x0  }
0x69: {  	s3 =	rddreg [dreg:$0x2];
	[bflag:$0x3] =	sbarrier.arrive $0xFFFF;
	s2 =	simm.s32 @!p0 $0x1C05  }
0x6a: {  	[timem:s3], [sflag:s2] =	dma.local @!p0 [hbm:s0], s1  }
0x6b: {  	s0 =	simm.s32 @!p0 $0x5  }
0x6c: {  	_ =	swait.ge @!p0 [sflag:s0], s1  }
0x6d: {  	s1 =	ssub.s32 @!p0 $0x0, s1;
	[sflag:s0] =	ssyncset.done @!p0 $0x0  }
0x6e: {  	[sflag:s0] =	ssyncadd.s32 @!p0 s1  }
0x6f: {  	[bflag:$0x3] =	sbarrier.arrive $0xFFFF  }
0x70: {  	_ =	shalt  }

// kernel: kernel.15.cloned.1.call-start
scs
__scs_entry_jumppad:
0x0: {  	(pc) =	sbr.rel $0x88, $3  }
0x1: {  	(tag) =	ssettag $0x0;
	lr =	simm.s32 $0x1  }
0x2: {  	[smem:$0x3F99] =	sst lr;
	_ =	strace $0xD0000000  }
0x3: {  	_ = 	snop  }
0x4: {  	_ = 	snop  }
0x5: {  	_ = 	snop  }
0x6: {  	_ = 	snop  }
0x7: {  	_ = 	snop  }
__scs_overlays_trampoline_lowered:
0x8: {  	[smem:$0x3FA8] =	sst s0  }
0x9: {  	[smem:$0x3FA9] =	sst s1  }
0xa: {  	[smem:$0x3FAA] =	sst s2  }
0xb: {  	[smem:$0x3FAB] =	sst s3  }
0xc: {  	[smem:$0x3FAC] =	sst s4  }
0xd: {  	[smem:$0x3FAD] =	sst s5  }
0xe: {  	[smem:$0x3FAE] =	sst s6  }
0xf: {  	[smem:$0x3FAF] =	sst s7  }
0x10: {  	[smem:$0x3FB0] =	sst s8  }
0x11: {  	[smem:$0x3FB1] =	sst s9;
	s0 =	simm.s32 @!p0 $0x0  }
0x12: {  	s1 =	sld [smem:$0x3F97];
	s0 =	simm.s32 @p0 $0x1  }
0x13: {  	[smem:$0x3FB2] =	sst s0;
	s0 =	simm.s32 @!p1 $0x0  }
0x14: {  	s2 =	sld [smem:$0x3F96];
	s0 =	simm.s32 @p1 $0x1  }
0x15: {  	[smem:$0x3FB3] =	sst s0;
	s0 =	simm.s32 @!p2 $0x0  }
0x16: {  	s3 =	sld [smem:$0x3FDB];
	s0 =	simm.s32 @p2 $0x1  }
0x17: {  	s4 =	simm.s32 $0x1BF5;
	[smem:$0x3FB5] =	sst s0  }
0x18: {  	s0 =	sld [smem:$0x3F98];
	_ =	swait.ge [sflag:s4], $0x0  }
0x19: {  	s7 =	sld [smem:$0x3F99]  }
0x1a: {  	s8 =	sadd.s32 $0xFFFFE003, lr  }
0x1b: {  	s9 =	sadd.s32 $0xFFFFFEF7, lr;
	s5 =	simm.s32 $0xFFFFFFFF;
	p2 =	slt.u32 s8, $0xFFFFF086  }
0x1c: {  	p1 =	slt.u32 s9, $0xF7A;
	s5 =	simm.s32 @!p2 $0x0  }
0x1d: {  	s5 =	simm.s32 @p1 $0x1;
	p0 =	seq.s32 s7, s2  }
0x1e: {  	s7 =	smul.u32 @!p0 $0xF7A, s2;
	p2 =	seq.s32 @!p0 s5, $0x0  }
0x1f: {  	s9 =	smul.u32 $0xF7A, s1;
	s8 =	simm.s32 @!p0 $0x1BF5;
	p2 =	por !p2, p0  }
0x20: {  	[sflag:s8] =	ssyncset.s32 @!p0 $0xFFFFF086;
	s6 =	sadd.s32 @!p0 s3, s7;
	s7 =	simm.s32 @!p0 $0x108  }
0x21: {  	s3 =	sadd.s32 s3, s9;
	s6 =	sadd.s32 @!p0 $0x88, s6;
	s7 =	simm.s32 @p2 $0x1082  }
0x22: {  	[simem:s7], [sflag:s8] =	dma.local @!p0 [hbm:s6], $0xF7A  }
0x23: {  	s9 =	sor.u32 $0xD0000000, s2;
	s6 =	simm.s32 $0x108;
	_ =	swait.ge @!p0 [sflag:s8], $0x0  }
0x24: {  	s3 =	sadd.s32 $0x88, s3;
	s6 =	simm.s32 @!p1 $0x1082;
	[sflag:s4] =	ssyncset.s32 $0xFFFFF086  }
0x25: {  	[simem:s6], [sflag:s4] =	dma.local [hbm:s3], $0xF7A  }
0x26: {  	[smem:$0x3F99] =	sst s1;
	(tag) =	ssettag s2;
	_ =	strace s9  }
0x27: {  	s1 =	sld [smem:$0x3FA9]  }
0x28: {  	s2 =	sld [smem:$0x3FAA]  }
0x29: {  	s4 =	sld [smem:$0x3FAC]  }
0x2a: {  	p0 =	seq.s32 s5, $0x0;
	s5 =	sld [smem:$0x3FAD]  }
0x2b: {  	s6 =	sld [smem:$0x3FAE]  }
0x2c: {  	s7 =	sld [smem:$0x3FAF]  }
0x2d: {  	s3 =	simm.s32 $0x108;
	s8 =	sld [smem:$0x3FB0]  }
0x2e: {  	s3 =	simm.s32 @!p0 $0x1082;
	s9 =	sld [smem:$0x3FB1]  }
0x2f: {  	lr =	sadd.s32 s0, s3;
	s0 =	sld [smem:$0x3FA8]  }
0x30: {  	s3 =	sld [smem:$0x3FAB]  }
0x31: {  	[smem:$0x3FB4] =	sst s10  }
0x32: {  	s10 =	sld [smem:$0x3FB2];
	_ =	sdelay $0x3  }
0x33: {  	p0 =	seq.s32 s10, $0x1;
	s10 =	sld [smem:$0x3FB4];
	_ =	sdelay $0x3  }
0x34: {  	[smem:$0x3FB4] =	sst s10  }
0x35: {  	s10 =	sld [smem:$0x3FB3];
	_ =	sdelay $0x3  }
0x36: {  	p1 =	seq.s32 s10, $0x1;
	s10 =	sld [smem:$0x3FB4];
	_ =	sdelay $0x3  }
0x37: {  	[smem:$0x3FB4] =	sst s10  }
0x38: {  	s10 =	sld [smem:$0x3FB5]  }
0x39: {  	_ = 	snop;
	(pc) =	sbr.ind lr, $3  }
0x3a: {  	_ = 	snop  }
0x3b: {  	_ = 	snop  }
0x3c: {  	p2 =	seq.s32 s10, $0x1;
	s10 =	sld [smem:$0x3FB4]  }
0x3d: {  	_ =	shalt  }
0x3e: {  	_ =	shalt  }
0x3f: {  	_ =	shalt  }
0x40: {  	_ =	shalt  }
0x41: {  	_ =	shalt  }
0x42: {  	_ =	shalt  }
0x43: {  	_ =	shalt  }
0x44: {  	_ =	shalt  }
0x45: {  	_ =	shalt  }
0x46: {  	_ =	shalt  }
0x47: {  	_ =	shalt  }
0x48: {  	_ =	shalt  }
0x49: {  	_ =	shalt  }
0x4a: {  	_ =	shalt  }
0x4b: {  	_ =	shalt  }
0x4c: {  	_ =	shalt  }
0x4d: {  	_ =	shalt  }
0x4e: {  	_ =	shalt  }
0x4f: {  	_ =	shalt  }
0x50: {  	_ =	shalt  }
0x51: {  	_ =	shalt  }
0x52: {  	_ =	shalt  }
0x53: {  	_ =	shalt  }
0x54: {  	_ =	shalt  }
0x55: {  	_ =	shalt  }
0x56: {  	_ =	shalt  }
0x57: {  	_ =	shalt  }
0x58: {  	_ =	shalt  }
0x59: {  	_ =	shalt  }
0x5a: {  	_ =	shalt  }
0x5b: {  	_ =	shalt  }
0x5c: {  	_ =	shalt  }
0x5d: {  	_ =	shalt  }
0x5e: {  	_ =	shalt  }
0x5f: {  	_ =	shalt  }
0x60: {  	_ =	shalt  }
0x61: {  	_ =	shalt  }
0x62: {  	_ =	shalt  }
0x63: {  	_ =	shalt  }
0x64: {  	_ =	shalt  }
0x65: {  	_ =	shalt  }
0x66: {  	_ =	shalt  }
0x67: {  	_ =	shalt  }
0x68: {  	_ =	shalt  }
0x69: {  	_ =	shalt  }
0x6a: {  	_ =	shalt  }
0x6b: {  	_ =	shalt  }
0x6c: {  	_ =	shalt  }
0x6d: {  	_ =	shalt  }
0x6e: {  	_ =	shalt  }
0x6f: {  	_ =	shalt  }
0x70: {  	_ =	shalt  }
0x71: {  	_ =	shalt  }
0x72: {  	_ =	shalt  }
0x73: {  	_ =	shalt  }
0x74: {  	_ =	shalt  }
0x75: {  	_ =	shalt  }
0x76: {  	_ =	shalt  }
0x77: {  	_ =	shalt  }
0x78: {  	_ =	shalt  }
0x79: {  	_ =	shalt  }
0x7a: {  	_ =	shalt  }
0x7b: {  	_ =	shalt  }
0x7c: {  	_ =	shalt  }
0x7d: {  	_ =	shalt  }
0x7e: {  	_ =	shalt  }
0x7f: {  	_ =	shalt  }
0x80: {  	_ =	shalt  }
0x81: {  	_ =	shalt  }
0x82: {  	_ =	shalt  }
0x83: {  	_ =	shalt  }
0x84: {  	_ =	shalt  }
0x85: {  	_ =	shalt  }
0x86: {  	_ =	shalt  }
0x87: {  	_ =	shalt  }
.Lfunc_end0:
.L_simem_size_0:
called_computation.2_lowered:
.L_overlay_start_0:
0x88: {  	s2 =	sld [smem:$0x3FD9]  }
0x89: {  	s3 =	sld [smem:$0x3FFE];
	_ =	sdelay $0x1  }
0x8a: {  	s1 =	srdreg.scid  }
0x8b: {  	s0 =	sand.u32 $0x1, s1  }
0x8c: {  	s16 =	sshll.u32 s0, $0xA;
	s2 =	sadd.s32 s3, s2  }
0x8d: {  	s2 =	sadd.s32 s2, s16  }
0x8e: {  	[smem:$0x3FC0] =	sst s2  }
0x8f: {  	_ = 	snop  }
0x90: {  	(tm) =	ssettm $0x1  }
0x91: {  	s17 =	sld [smem:$0x3FFB];
	_ =	sdelay $0x3  }
0x92: {  	_ =	strace s17  }
0x93: {  	s2 =	sld [smem:$0x3FFC];
	_ =	sdelay $0x3  }
0x94: {  	_ =	strace s2  }
0x95: {  	s2 =	sld [smem:$0x3FFD];
	_ =	sdelay $0x3  }
0x96: {  	_ =	strace s2  }
0x97: {  	_ =	strace $0x8FFFFFFF  }
0x98: {  	s18 =	sld [smem:$0x3FDB];
	_ =	sdelay $0x1  }
0x99: {  	s19 =	simm.s32 $_scs_section_size  }
0x9a: {  	s4 =	simm.s32 $_size__tile_overlayer_lowered;
	s5 =	simm.s32 $_tile_overlayer_lowered  }
0x9b: {  	s22 =	simm.s32 $0x1BFF;
	s21 =	sshll.u32 s5, $0x1;
	s2 =	sadd.s32 s19, s18  }
0x9c: {  	s6 =	simm.s32 $0x0;
	s20 =	sshll.u32 s4, $0x1;
	s4 =	sadd.s32 s21, s2  }
0x9d: {  	[timem:s6], [sflag:s22] =	dma.local [hbm:s4], s20  }
0x9e: {  	_ =	swait.ge [sflag:s22], s20  }
0x9f: {  	s3 =	ssub.s32 $0x0, s20;
	[sflag:s22] =	ssyncset.done $0x0  }
0xa0: {  	[sflag:s22] =	ssyncadd.s32 s3;
	_ =	sdelay $0x1  }
0xa1: {  	s23 =	simm.s32 $0x1B8B  }
0xa2: {  	_ =	swait.ge [sflag:s23], $0x1  }
0xa3: {  	[sflag:s23] =	ssyncset.done $0x0  }
0xa4: {  	s25 =	simm.s32 $0x1B8E;
	s24 =	sld [smem:$0x3FFE];
	[sflag:s23] =	ssyncadd.s32 $0xFFFFFFFF  }
0xa5: {  	s26 =	simm.s32 $execute0_lowered;
	[smem:$0x3FD2] =	sst s25  }
0xa6: {  	s4 =	sshll.u32 s26, $0x1;
	_ =	strace $0x8000004C;
	[dreg:$0x1] =	wrdreg $0xFFFFFFFF  }
0xa7: {  	s28 =	simm.s32 $_size_execute0_lowered;
	s2 =	sadd.s32 s2, s4;
	[dreg:$0x0] =	wrdreg $0x0  }
0xa8: {  	s4 =	sshll.u32 s28, $0x1;
	[dreg:$0x2] =	wrdreg s2  }
0xa9: {  	[dreg:$0x3] =	wrdreg s4  }
0xaa: {  	[dreg:$0x4] =	wrdreg $0xC0  }
0xab: {  	_ =	task [dreg:s6], $0x5FFFF  }
0xac: {  	[dreg:$0x1] =	wrdreg $0xFFFFFFFF  }
0xad: {  	[dreg:$0x0] =	wrdreg $0x60  }
0xae: {  	[dreg:$0x2] =	wrdreg s24  }
0xaf: {  	[dreg:$0x3] =	wrdreg $0x10E000  }
0xb0: {  	[dreg:$0x4] =	wrdreg $0xBF000  }
0xb1: {  	[dreg:$0x5] =	wrdreg $0x9  }
0xb2: {  	_ =	task.clear_ibuf [dreg:s6], $0x6FFFF;
	_ =	strace $0x9000004C  }
0xb3: {  	s29 =	simm.s32 $0x9;
	_ =	strace $0x8000004E  }
0xb4: {  	_ =	swait.ge [sflag:s29], $0x1  }
0xb5: {  	[sflag:s29] =	ssyncadd.s32 $0xFFFFFFFF  }
0xb6: {  	_ =	strace $0x9000004E  }
0xb7: {  	_ =	sfence  }
0xb8: {  	s30 =	sld [smem:$0x0];
	_ =	sdelay $0x2  }
0xb9: {  	s31 =	sshll.u32 s1, $0xD;
	s1 =	sshrl.u32 s1, $0x2  }
0xba: {  	s3 =	sand.u32 $0x4000, s31;
	s1 =	sadd.s32 s1, s30  }
0xbb: {  	s0 =	sor.u32 s3, s0;
	s1 =	sshll.u32 s1, $0x11  }
0xbc: {  	s0 =	sor.u32 s1, s0  }
0xbd: {  	s0 =	sadd.s32 $0x8F2B, s0  }
0xbe: {  	[sflag:s0] =	ssyncadd.remote.s32 $0x1  }
0xbf: {  	_ =	sfence.sel $0xFFFF  }
0xc0: {  	[dreg:$0x0] =	wrdreg $0xFFFFFFFF;
	(pc) =	sbr.abs _section_cstart, $3  }
0xc1: {  	[dreg:$0x1] =	wrdreg $0xFFFFFFFF  }
0xc2: {  	_ =	task.clear_ibuf [dreg:s6], $0x2FFFF;
	_ =	strace $0x9FFFFFFF  }
0xc3: {  	(tm) =	ssettm $0x7FFFFFFF  }
tec
execute0_lowered:
.L_overlay_start_1:
0x0: {  	(tag) =	ssettag $0x1  }
0x1: {  	s5 =	rddreg [dreg:$0x0]  }
0x2: {  	s1 =	srdreg.scid;
	s2 =	rddreg [dreg:$0x1]  }
0x3: {  	s0 =	stileid.u32;
	s3 =	rddreg [dreg:$0x2];
	s4 =	simm.s32 $0x0  }
0x4: {  	s14 =	simm.s32 $0x2800;
	s15 =	simm.s32 $0x7000;
	s16 =	simm.s32 $0x80  }
0x5: {  	s17 =	simm.s32 $0x5000;
	s18 =	simm.s32 $0x6000;
	s19 =	simm.s32 $0x1  }
0x6: {  	s20 =	simm.s32 $0x2;
	s21 =	simm.s32 $0x3;
	s22 =	simm.s32 $0x4  }
0x7: {  	s23 =	simm.s32 $0x4F00;
	s24 =	simm.s32 $0x4F80;
	s25 =	simm.s32 $0x0  }
0x8: {  	s6 =	sand.u32 $0x1, s1;
	s31 =	sshll.u32 s0, $0x1;
	s10 =	smul.u32 $0x4F00, s0  }
0x9: {  	[smem:$0x7FF] =	sst s4;
	s1 =	sor.u32 s6, s31;
	s8 =	smul.u32 $0x4F000, s6  }
0xa: {  	s6 =	ssub.s32 $0x2, s6;
	s7 =	smul.u32 $0x500, s1;
	s1 =	rddreg [dreg:$0x3]  }
0xb: {  	_ =	strace $0x8000004D;
	s9 =	sshrl.u32 s10, $0x3;
	s8 =	sadd.s32 s10, s8  }
0xc: {  	s11 =	sshrl.u32 s6, $0x1;
	s9 =	sadd.s32 s9, s5;
	s8 =	sshrl.u32 s8, $0x3  }
0xd: {  	s13 =	ssub.s32 s6, s11;
	s7 =	sadd.s32 s7, s5;
	s12 =	sadd.s32 s8, s5  }
0xe: {  	s5 =	sadd.s32 $0x3D800, s7;
	s6 =	sadd.s32 $0x2200, s7;
	s7 =	sadd.s32 $0x33A00, s9  }
0xf: {  	s8 =	sadd.s32 s10, s2;
	s9 =	sadd.s32 $0x47800, s9;
	s10 =	sadd.s32 s10, s3  }
0x10: {  	s11 =	sadd.s32 $0x51600, s12;
	s12 =	smax.u32 s13, $0x1;
	s13 =	simm.s32 $0x5  }
.LBB2_1:
0x11: {  	[tilespmem:s4], [sflag:$0x5] =	stream.linear.gather [hbm4b:s5+s4], $0x2800, $0x38;
	[tilespmem:$0x15D00] =	vst v63  }
0x12: {  	_ =	swait.ge [sflag:s13], $0x2800  }
0x13: {  	[sflag:s13] =	ssyncset.done $0x0  }
0x14: {  	[sflag:s13] =	ssyncadd.s32 $0xFFFFD800  }
0x15: {  	[tilespmem:s14], [sflag:$0x5] =	stream.linear.gather [hbm4b:s6+s4], $0x2800, $0x38;
	[tilespmem:$0x15D00] =	vst v63  }
0x16: {  	_ =	swait.ge [sflag:s13], $0x2800  }
0x17: {  	[sflag:s13] =	ssyncset.done $0x0  }
0x18: {  	[sflag:s13] =	ssyncadd.s32 $0xFFFFD800  }
0x19: {  	[tilespmem:s15], [sflag:$0x5] =	stream.linear.gather [hbm4b:s7+s4], $0x4F00, $0x38;
	[tilespmem:$0x15D00] =	vst v63  }
0x1a: {  	_ =	swait.ge [sflag:s13], $0x4F00  }
0x1b: {  	[sflag:s13] =	ssyncset.done $0x0  }
0x1c: {  	[sflag:s13] =	ssyncadd.s32 $0xFFFFB100  }
0x1d: {  	[spmem:s8] =	stream.linear.scatter [tilespmem:s15], [sflag:$0x5], $0x4F00, $0x38;
	[tilespmem:$0x15D00] =	vst v63  }
0x1e: {  	_ =	swait.ge [sflag:s13], $0x4F00  }
0x1f: {  	[sflag:s13] =	ssyncset.done $0x0  }
0x20: {  	[sflag:s13] =	ssyncadd.s32 $0xFFFFB100  }
0x21: {  	[tilespmem:s15], [sflag:$0x5] =	stream.linear.gather [hbm4b:s9+s4], $0x4F00, $0x38;
	[tilespmem:$0x15D00] =	vst v63  }
0x22: {  	_ =	swait.ge [sflag:s13], $0x4F00  }
0x23: {  	[sflag:s13] =	ssyncset.done $0x0  }
0x24: {  	[sflag:s13] =	ssyncadd.s32 $0xFFFFB100  }
0x25: {  	[spmem:s10] =	stream.linear.scatter [tilespmem:s15], [sflag:$0x5], $0x4F00, $0x38;
	[tilespmem:$0x15D00] =	vst v63  }
0x26: {  	_ =	swait.ge [sflag:s13], $0x4F00  }
0x27: {  	[sflag:s13] =	ssyncset.done $0x0  }
0x28: {  	[sflag:s13] =	ssyncadd.s32 $0xFFFFB100  }
0x29: {  	[bflag:$0x0] =	sbarrier.arrive $0xFFFF  }
0x2a: {  	[tilespmem:s17], [sflag:$0x1] =	stream.indirect.gather [spmem:s2], $0x20, s4, s16, $0xb8;
	[tilespmem:$0x15D00] =	vst v63  }
0x2b: {  	_ = 	snop  }
0x2c: {  	[tilespmem:s18], [sflag:$0x2] =	stream.indirect.gather [spmem:s2], $0x20, s16, s16, $0xb8;
	[tilespmem:$0x15D00] =	vst v63  }
0x2d: {  	_ =	swait.ge [sflag:s19], $0x1000  }
0x2e: {  	[sflag:s19] =	ssyncset.done $0x0  }
0x2f: {  	s26 =	simm.s32 $0x2800;
	[sflag:s19] =	ssyncadd.s32 $0xFFFFF000  }
0x30: {  	[spmem:s3] =	stream.indirect.scatter.add.f32 [tilespmem:s17], [sflag:$0x3], $0x20, s26, s16, $0xb8;
	[tilespmem:$0x15D00] =	vst v63  }
0x31: {  	_ =	swait.ge [sflag:s20], $0x1000  }
0x32: {  	[sflag:s20] =	ssyncset.done $0x0  }
0x33: {  	s30 =	simm.s32 $0x2880;
	[sflag:s20] =	ssyncadd.s32 $0xFFFFF000  }
0x34: {  	[spmem:s3] =	stream.indirect.scatter.add.f32 [tilespmem:s18], [sflag:$0x4], $0x20, s30, s16, $0xb8;
	[tilespmem:$0x15D00] =	vst v63  }
0x35: {  	_ =	swait.ge [sflag:s21], $0x1000  }
0x36: {  	[sflag:s21] =	ssyncset.done $0x0  }
0x37: {  	s31 =	simm.s32 $0x100;
	[sflag:s21] =	ssyncadd.s32 $0xFFFFF000  }
0x38: {  	[tilespmem:s17], [sflag:$0x1] =	stream.indirect.gather [spmem:s2], $0x20, s31, s16, $0xb8;
	[tilespmem:$0x15D00] =	vst v63  }
0x39: {  	_ =	swait.ge [sflag:s22], $0x1000  }
0x3a: {  	[sflag:s22] =	ssyncset.done $0x0  }
0x3b: {  	s28 =	simm.s32 $0x180;
	s26 =	simm.s32 $0x400;
	[sflag:s22] =	ssyncadd.s32 $0xFFFFF000  }
.LBB2_2:
0x3c: {  	[tilespmem:s18], [sflag:$0x2] =	stream.indirect.gather [spmem:s2], $0x20, s28, s16, $0xb8;
	[tilespmem:$0x15D00] =	vst v63  }
0x3d: {  	s28 =	smov.u32 s26  }
0x3e: {  	p0 =	sne.s32 s26, $0x9800;
	s26 =	sadd.s32 $0x400, s26;
	_ =	swait.ge [sflag:s19], $0x1000  }
0x3f: {  	s28 =	sshra.s32 s28, $0x2;
	[sflag:s19] =	ssyncset.done $0x0  }
0x40: {  	s29 =	sadd.s32 $0x2800, s28;
	[sflag:s19] =	ssyncadd.s32 $0xFFFFF000  }
0x41: {  	[spmem:s3] =	stream.indirect.scatter.add.f32 [tilespmem:s17], [sflag:$0x3], $0x20, s29, s16, $0xb8;
	[tilespmem:$0x15D00] =	vst v63  }
0x42: {  	_ =	swait.ge [sflag:s20], $0x1000  }
0x43: {  	[sflag:s20] =	ssyncset.done $0x0  }
0x44: {  	s29 =	sadd.s32 $0x2880, s28;
	[sflag:s20] =	ssyncadd.s32 $0xFFFFF000  }
0x45: {  	[spmem:s3] =	stream.indirect.scatter.add.f32 [tilespmem:s18], [sflag:$0x4], $0x20, s29, s16, $0xb8;
	[tilespmem:$0x15D00] =	vst v63  }
0x46: {  	_ =	swait.ge [sflag:s21], $0x1000  }
0x47: {  	[sflag:s21] =	ssyncset.done $0x0  }
.Ltmp0:
0x48: {  	s29 =	sadd.s32 $0x100, s28;
	[sflag:s21] =	ssyncadd.s32 $0xFFFFF000;
	(pc) =	sbr.rel @p0 .LBB2_2-.Ltmp0, $4  }
0x49: {  	[tilespmem:s17], [sflag:$0x1] =	stream.indirect.gather [spmem:s2], $0x20, s29, s16, $0xb8;
	[tilespmem:$0x15D00] =	vst v63  }
0x4a: {  	_ =	swait.ge [sflag:s22], $0x1000  }
0x4b: {  	[sflag:s22] =	ssyncset.done $0x0  }
0x4c: {  	s28 =	sadd.s32 $0x180, s28;
	[sflag:s22] =	ssyncadd.s32 $0xFFFFF000  }
0x4d: {  	[tilespmem:s18], [sflag:$0x2] =	stream.indirect.gather [spmem:s2], $0x20, s28, s16, $0xb8;
	[tilespmem:$0x15D00] =	vst v63  }
0x4e: {  	_ =	swait.ge [sflag:s19], $0x1000  }
0x4f: {  	[sflag:s19] =	ssyncset.done $0x0  }
0x50: {  	[sflag:s19] =	ssyncadd.s32 $0xFFFFF000  }
0x51: {  	[spmem:s3] =	stream.indirect.scatter.add.f32 [tilespmem:s17], [sflag:$0x3], $0x20, s23, s16, $0xb8;
	[tilespmem:$0x15D00] =	vst v63  }
0x52: {  	_ =	swait.ge [sflag:s20], $0x1000  }
0x53: {  	[sflag:s20] =	ssyncset.done $0x0  }
0x54: {  	[sflag:s20] =	ssyncadd.s32 $0xFFFFF000  }
0x55: {  	[spmem:s3] =	stream.indirect.scatter.add.f32 [tilespmem:s18], [sflag:$0x4], $0x20, s24, s16, $0xb8;
	[tilespmem:$0x15D00] =	vst v63  }
0x56: {  	_ =	swait.ge [sflag:s21], $0x1000  }
0x57: {  	[sflag:s21] =	ssyncset.done $0x0  }
0x58: {  	[sflag:s21] =	ssyncadd.s32 $0xFFFFF000  }
0x59: {  	_ =	swait.ge [sflag:s22], $0x1000  }
0x5a: {  	s26 =	sshll.u32 s0, $0x6;
	s25 =	sadd.s32 $0x1, s25;
	[sflag:s22] =	ssyncset.done $0x0  }
0x5b: {  	s31 =	sshrl.u32 s10, $0x3;
	p0 =	sne.s32 s25, s12;
	[sflag:s22] =	ssyncadd.s32 $0xFFFFF000  }
.Ltmp1:
0x5c: {  	s26 =	sor.u32 $0x1C05, s26;
	[bflag:$0x0] =	sbarrier.arrive $0xFFFF;
	(pc) =	sbr.rel @p0 .LBB2_1-.Ltmp1, $4  }
0x5d: {  	[hbm:s11], [sflag:s26] =	dma.local [spmem:s31], $0x9E0  }
0x5e: {  	_ =	swait.ge [sflag:s13], $0x9E0  }
0x5f: {  	[sflag:s13] =	ssyncset.done $0x0  }
0x60: {  	[sflag:s13] =	ssyncadd.s32 $0xFFFFF620  }
0x61: {  	_ =	sfence.sel $0x180000  }
0x62: {  	[bflag:$0x0] =	sbarrier.arrive $0xFFFF  }
0x63: {  	p0 =	sne.s32 s0, $0x0;
	_ =	strace $0x9000004D  }
0x64: {  	s0 =	sadd.s32 @!p0 $0x100000, s1;
	[bflag:$0x2] =	sbarrier.arrive $0xFFFF  }
0x65: {  	[sflag:s0] =	ssyncadd.tile.s32 @!p0 $0x1;
	_ =	shalt  }
.Lfunc_end2:
_tile_overlayer_lowered:
.L_overlay_start_2:
0x66: {  	(tag) =	ssettag $0x2  }
0x67: {  	s0 =	rddreg [dreg:$0x0];
	s2 =	stileid.u32  }
0x68: {  	s1 =	rddreg [dreg:$0x1];
	p0 =	sne.s32 s2, $0x0  }
0x69: {  	s3 =	rddreg [dreg:$0x2];
	[bflag:$0x3] =	sbarrier.arrive $0xFFFF;
	s2 =	simm.s32 @!p0 $0x1C05  }
0x6a: {  	[timem:s3], [sflag:s2] =	dma.local @!p0 [hbm:s0], s1  }
0x6b: {  	s0 =	simm.s32 @!p0 $0x5  }
0x6c: {  	_ =	swait.ge @!p0 [sflag:s0], s1  }
0x6d: {  	s1 =	ssub.s32 @!p0 $0x0, s1;
	[sflag:s0] =	ssyncset.done @!p0 $0x0  }
0x6e: {  	[sflag:s0] =	ssyncadd.s32 @!p0 s1  }
0x6f: {  	[bflag:$0x3] =	sbarrier.arrive $0xFFFF  }
0x70: {  	_ =	shalt  }

// kernel: kernel.9.cloned.1.call-start
scs
__scs_entry_jumppad:
0x0: {  	(pc) =	sbr.rel $0x88, $3  }
0x1: {  	(tag) =	ssettag $0x0;
	lr =	simm.s32 $0x1  }
0x2: {  	[smem:$0x3F99] =	sst lr;
	_ =	strace $0xD0000000  }
0x3: {  	_ = 	snop  }
0x4: {  	_ = 	snop  }
0x5: {  	_ = 	snop  }
0x6: {  	_ = 	snop  }
0x7: {  	_ = 	snop  }
__scs_overlays_trampoline_lowered:
0x8: {  	[smem:$0x3FA8] =	sst s0  }
0x9: {  	[smem:$0x3FA9] =	sst s1  }
0xa: {  	[smem:$0x3FAA] =	sst s2  }
0xb: {  	[smem:$0x3FAB] =	sst s3  }
0xc: {  	[smem:$0x3FAC] =	sst s4  }
0xd: {  	[smem:$0x3FAD] =	sst s5  }
0xe: {  	[smem:$0x3FAE] =	sst s6  }
0xf: {  	[smem:$0x3FAF] =	sst s7  }
0x10: {  	[smem:$0x3FB0] =	sst s8  }
0x11: {  	[smem:$0x3FB1] =	sst s9;
	s0 =	simm.s32 @!p0 $0x0  }
0x12: {  	s1 =	sld [smem:$0x3F97];
	s0 =	simm.s32 @p0 $0x1  }
0x13: {  	[smem:$0x3FB2] =	sst s0;
	s0 =	simm.s32 @!p1 $0x0  }
0x14: {  	s2 =	sld [smem:$0x3F96];
	s0 =	simm.s32 @p1 $0x1  }
0x15: {  	[smem:$0x3FB3] =	sst s0;
	s0 =	simm.s32 @!p2 $0x0  }
0x16: {  	s3 =	sld [smem:$0x3FDB];
	s0 =	simm.s32 @p2 $0x1  }
0x17: {  	s4 =	simm.s32 $0x1BF5;
	[smem:$0x3FB5] =	sst s0  }
0x18: {  	s0 =	sld [smem:$0x3F98];
	_ =	swait.ge [sflag:s4], $0x0  }
0x19: {  	s7 =	sld [smem:$0x3F99]  }
0x1a: {  	s8 =	sadd.s32 $0xFFFFE003, lr  }
0x1b: {  	s9 =	sadd.s32 $0xFFFFFEF7, lr;
	s5 =	simm.s32 $0xFFFFFFFF;
	p2 =	slt.u32 s8, $0xFFFFF086  }
0x1c: {  	p1 =	slt.u32 s9, $0xF7A;
	s5 =	simm.s32 @!p2 $0x0  }
0x1d: {  	s5 =	simm.s32 @p1 $0x1;
	p0 =	seq.s32 s7, s2  }
0x1e: {  	s7 =	smul.u32 @!p0 $0xF7A, s2;
	p2 =	seq.s32 @!p0 s5, $0x0  }
0x1f: {  	s9 =	smul.u32 $0xF7A, s1;
	s8 =	simm.s32 @!p0 $0x1BF5;
	p2 =	por !p2, p0  }
0x20: {  	[sflag:s8] =	ssyncset.s32 @!p0 $0xFFFFF086;
	s6 =	sadd.s32 @!p0 s3, s7;
	s7 =	simm.s32 @!p0 $0x108  }
0x21: {  	s3 =	sadd.s32 s3, s9;
	s6 =	sadd.s32 @!p0 $0x88, s6;
	s7 =	simm.s32 @p2 $0x1082  }
0x22: {  	[simem:s7], [sflag:s8] =	dma.local @!p0 [hbm:s6], $0xF7A  }
0x23: {  	s9 =	sor.u32 $0xD0000000, s2;
	s6 =	simm.s32 $0x108;
	_ =	swait.ge @!p0 [sflag:s8], $0x0  }
0x24: {  	s3 =	sadd.s32 $0x88, s3;
	s6 =	simm.s32 @!p1 $0x1082;
	[sflag:s4] =	ssyncset.s32 $0xFFFFF086  }
0x25: {  	[simem:s6], [sflag:s4] =	dma.local [hbm:s3], $0xF7A  }
0x26: {  	[smem:$0x3F99] =	sst s1;
	(tag) =	ssettag s2;
	_ =	strace s9  }
0x27: {  	s1 =	sld [smem:$0x3FA9]  }
0x28: {  	s2 =	sld [smem:$0x3FAA]  }
0x29: {  	s4 =	sld [smem:$0x3FAC]  }
0x2a: {  	p0 =	seq.s32 s5, $0x0;
	s5 =	sld [smem:$0x3FAD]  }
0x2b: {  	s6 =	sld [smem:$0x3FAE]  }
0x2c: {  	s7 =	sld [smem:$0x3FAF]  }
0x2d: {  	s3 =	simm.s32 $0x108;
	s8 =	sld [smem:$0x3FB0]  }
0x2e: {  	s3 =	simm.s32 @!p0 $0x1082;
	s9 =	sld [smem:$0x3FB1]  }
0x2f: {  	lr =	sadd.s32 s0, s3;
	s0 =	sld [smem:$0x3FA8]  }
0x30: {  	s3 =	sld [smem:$0x3FAB]  }
0x31: {  	[smem:$0x3FB4] =	sst s10  }
0x32: {  	s10 =	sld [smem:$0x3FB2];
	_ =	sdelay $0x3  }
0x33: {  	p0 =	seq.s32 s10, $0x1;
	s10 =	sld [smem:$0x3FB4];
	_ =	sdelay $0x3  }
0x34: {  	[smem:$0x3FB4] =	sst s10  }
0x35: {  	s10 =	sld [smem:$0x3FB3];
	_ =	sdelay $0x3  }
0x36: {  	p1 =	seq.s32 s10, $0x1;
	s10 =	sld [smem:$0x3FB4];
	_ =	sdelay $0x3  }
0x37: {  	[smem:$0x3FB4] =	sst s10  }
0x38: {  	s10 =	sld [smem:$0x3FB5]  }
0x39: {  	_ = 	snop;
	(pc) =	sbr.ind lr, $3  }
0x3a: {  	_ = 	snop  }
0x3b: {  	_ = 	snop  }
0x3c: {  	p2 =	seq.s32 s10, $0x1;
	s10 =	sld [smem:$0x3FB4]  }
0x3d: {  	_ =	shalt  }
0x3e: {  	_ =	shalt  }
0x3f: {  	_ =	shalt  }
0x40: {  	_ =	shalt  }
0x41: {  	_ =	shalt  }
0x42: {  	_ =	shalt  }
0x43: {  	_ =	shalt  }
0x44: {  	_ =	shalt  }
0x45: {  	_ =	shalt  }
0x46: {  	_ =	shalt  }
0x47: {  	_ =	shalt  }
0x48: {  	_ =	shalt  }
0x49: {  	_ =	shalt  }
0x4a: {  	_ =	shalt  }
0x4b: {  	_ =	shalt  }
0x4c: {  	_ =	shalt  }
0x4d: {  	_ =	shalt  }
0x4e: {  	_ =	shalt  }
0x4f: {  	_ =	shalt  }
0x50: {  	_ =	shalt  }
0x51: {  	_ =	shalt  }
0x52: {  	_ =	shalt  }
0x53: {  	_ =	shalt  }
0x54: {  	_ =	shalt  }
0x55: {  	_ =	shalt  }
0x56: {  	_ =	shalt  }
0x57: {  	_ =	shalt  }
0x58: {  	_ =	shalt  }
0x59: {  	_ =	shalt  }
0x5a: {  	_ =	shalt  }
0x5b: {  	_ =	shalt  }
0x5c: {  	_ =	shalt  }
0x5d: {  	_ =	shalt  }
0x5e: {  	_ =	shalt  }
0x5f: {  	_ =	shalt  }
0x60: {  	_ =	shalt  }
0x61: {  	_ =	shalt  }
0x62: {  	_ =	shalt  }
0x63: {  	_ =	shalt  }
0x64: {  	_ =	shalt  }
0x65: {  	_ =	shalt  }
0x66: {  	_ =	shalt  }
0x67: {  	_ =	shalt  }
0x68: {  	_ =	shalt  }
0x69: {  	_ =	shalt  }
0x6a: {  	_ =	shalt  }
0x6b: {  	_ =	shalt  }
0x6c: {  	_ =	shalt  }
0x6d: {  	_ =	shalt  }
0x6e: {  	_ =	shalt  }
0x6f: {  	_ =	shalt  }
0x70: {  	_ =	shalt  }
0x71: {  	_ =	shalt  }
0x72: {  	_ =	shalt  }
0x73: {  	_ =	shalt  }
0x74: {  	_ =	shalt  }
0x75: {  	_ =	shalt  }
0x76: {  	_ =	shalt  }
0x77: {  	_ =	shalt  }
0x78: {  	_ =	shalt  }
0x79: {  	_ =	shalt  }
0x7a: {  	_ =	shalt  }
0x7b: {  	_ =	shalt  }
0x7c: {  	_ =	shalt  }
0x7d: {  	_ =	shalt  }
0x7e: {  	_ =	shalt  }
0x7f: {  	_ =	shalt  }
0x80: {  	_ =	shalt  }
0x81: {  	_ =	shalt  }
0x82: {  	_ =	shalt  }
0x83: {  	_ =	shalt  }
0x84: {  	_ =	shalt  }
0x85: {  	_ =	shalt  }
0x86: {  	_ =	shalt  }
0x87: {  	_ =	shalt  }
.Lfunc_end0:
.L_simem_size_0:
called_computation_lowered:
.L_overlay_start_0:
0x88: {  	s2 =	sld [smem:$0x3FD9]  }
0x89: {  	s3 =	sld [smem:$0x3FFE];
	_ =	sdelay $0x1  }
0x8a: {  	s1 =	srdreg.scid  }
0x8b: {  	s0 =	sand.u32 $0x1, s1  }
0x8c: {  	s17 =	sshll.u32 s0, $0xA;
	s2 =	sadd.s32 s3, s2  }
0x8d: {  	s2 =	sadd.s32 s2, s17  }
0x8e: {  	[smem:$0x3FC0] =	sst s2  }
0x8f: {  	_ = 	snop  }
0x90: {  	s2 =	sld [smem:$0x3FD0];
	(tm) =	ssettm $0x1  }
0x91: {  	s18 =	sld [smem:$0x3FFB];
	_ =	sdelay $0x3  }
0x92: {  	_ =	strace s18  }
0x93: {  	s3 =	sld [smem:$0x3FFC];
	_ =	sdelay $0x3  }
0x94: {  	_ =	strace s3  }
0x95: {  	s3 =	sld [smem:$0x3FFD];
	_ =	sdelay $0x3  }
0x96: {  	_ =	strace s3  }
0x97: {  	_ =	strace $0x8FFFFFFF  }
0x98: {  	s19 =	sld [smem:$0x3FDB];
	_ =	sdelay $0x1  }
0x99: {  	s4 =	simm.s32 $_scs_section_size  }
0x9a: {  	s5 =	simm.s32 $_size__tile_overlayer_lowered;
	s6 =	simm.s32 $_tile_overlayer_lowered  }
0x9b: {  	s22 =	simm.s32 $0x1BFF;
	s21 =	sshll.u32 s6, $0x1;
	s3 =	sadd.s32 s4, s19  }
0x9c: {  	s7 =	simm.s32 $0x0;
	s20 =	sshll.u32 s5, $0x1;
	s5 =	sadd.s32 s21, s3  }
0x9d: {  	[timem:s7], [sflag:s22] =	dma.local [hbm:s5], s20  }
0x9e: {  	_ =	swait.ge [sflag:s22], s20  }
0x9f: {  	s4 =	ssub.s32 $0x0, s20;
	[sflag:s22] =	ssyncset.done $0x0  }
0xa0: {  	[sflag:s22] =	ssyncadd.s32 s4;
	_ =	sdelay $0x1  }
0xa1: {  	s23 =	simm.s32 $0x1B8B  }
0xa2: {  	_ =	swait.ge [sflag:s23], $0x1  }
0xa3: {  	[sflag:s23] =	ssyncset.done $0x0  }
0xa4: {  	s25 =	simm.s32 $0x1B8E;
	s24 =	sld [smem:$0x3FFE];
	[sflag:s23] =	ssyncadd.s32 $0xFFFFFFFF  }
0xa5: {  	s26 =	simm.s32 $execute0_lowered;
	[smem:$0x3FD2] =	sst s25  }
0xa6: {  	s5 =	sshll.u32 s26, $0x1;
	_ =	strace $0x80000046;
	[dreg:$0x1] =	wrdreg $0xFFFFFFFF  }
0xa7: {  	s28 =	simm.s32 $_size_execute0_lowered;
	s3 =	sadd.s32 s3, s5;
	[dreg:$0x0] =	wrdreg $0x0  }
0xa8: {  	s5 =	sshll.u32 s28, $0x1;
	[dreg:$0x2] =	wrdreg s3  }
0xa9: {  	[dreg:$0x3] =	wrdreg s5  }
0xaa: {  	[dreg:$0x4] =	wrdreg $0xC0  }
0xab: {  	_ =	task [dreg:s7], $0x5FFFF  }
0xac: {  	[dreg:$0x1] =	wrdreg $0xFFFFFFFF  }
0xad: {  	[dreg:$0x0] =	wrdreg $0x60  }
0xae: {  	[dreg:$0x2] =	wrdreg s24  }
0xaf: {  	[dreg:$0x3] =	wrdreg s2  }
0xb0: {  	[dreg:$0x4] =	wrdreg $0x57800  }
0xb1: {  	[dreg:$0x5] =	wrdreg $0x9  }
0xb2: {  	_ =	task.clear_ibuf [dreg:s7], $0x6FFFF;
	_ =	strace $0x90000046  }
0xb3: {  	s29 =	simm.s32 $0x9;
	_ =	strace $0x80000048  }
0xb4: {  	_ =	swait.ge [sflag:s29], $0x1  }
0xb5: {  	[sflag:s29] =	ssyncadd.s32 $0xFFFFFFFF  }
0xb6: {  	_ =	strace $0x90000048  }
0xb7: {  	_ =	sfence  }
0xb8: {  	s30 =	sld [smem:$0x0];
	_ =	sdelay $0x2  }
0xb9: {  	s31 =	sshll.u32 s1, $0xD;
	s1 =	sshrl.u32 s1, $0x2  }
0xba: {  	s3 =	sand.u32 $0x4000, s31;
	s1 =	sadd.s32 s1, s30  }
0xbb: {  	s0 =	sor.u32 s3, s0;
	s1 =	sshll.u32 s1, $0x11  }
0xbc: {  	s0 =	sor.u32 s1, s0  }
0xbd: {  	s0 =	sadd.s32 $0x8F2B, s0  }
0xbe: {  	[sflag:s0] =	ssyncadd.remote.s32 $0x1  }
0xbf: {  	_ =	sfence.sel $0xFFFF  }
0xc0: {  	[dreg:$0x0] =	wrdreg $0xFFFFFFFF;
	(pc) =	sbr.abs _section_cstart, $3  }
0xc1: {  	[dreg:$0x1] =	wrdreg $0xFFFFFFFF  }
0xc2: {  	_ =	task.clear_ibuf [dreg:s7], $0x2FFFF;
	_ =	strace $0x9FFFFFFF  }
0xc3: {  	(tm) =	ssettm $0x7FFFFFFF  }
tec
execute0_lowered:
.L_overlay_start_1:
0x0: {  	(tag) =	ssettag $0x1  }
0x1: {  	s4 =	rddreg [dreg:$0x0]  }
0x2: {  	s5 =	rddreg [dreg:$0x1]  }
0x3: {  	s2 =	rddreg [dreg:$0x2]  }
0x4: {  	s0 =	rddreg [dreg:$0x3];
	s3 =	srdreg.scid  }
0x5: {  	s1 =	stileid.u32;
	s11 =	simm.s32 $0x80;
	s12 =	simm.s32 $0x2800  }
0x6: {  	s6 =	sand.u32 $0x1, s3;
	s7 =	sshll.u32 s1, $0x1;
	s8 =	smul.u32 $0x2780, s1  }
0x7: {  	s3 =	simm.s32 $0x0;
	s13 =	sshll.u32 s1, $0x6;
	s7 =	sor.u32 s6, s7  }
0x8: {  	s9 =	smul.u32 $0x27800, s6;
	[smem:$0x7FF] =	sst s3;
	s6 =	ssub.s32 $0x2, s6  }
0x9: {  	s13 =	sor.u32 $0x1C01, s13;
	s7 =	smul.u32 $0x500, s7;
	_ =	strace $0x80000047  }
0xa: {  	s10 =	sshrl.u32 s6, $0x1;
	s31 =	sshrl.u32 s8, $0x3;
	s9 =	sadd.s32 s8, s9  }
0xb: {  	s10 =	ssub.s32 s6, s10;
	s7 =	sadd.s32 s7, s4;
	s9 =	sshrl.u32 s9, $0x3  }
0xc: {  	s9 =	sadd.s32 s9, s4;
	s4 =	sadd.s32 s5, s31;
	s5 =	sadd.s32 s8, s2  }
0xd: {  	v0 =	vimm.f32 $0.0e+00;
	vm0 =	vcmask $0x300;
	s6 =	sadd.s32 $0x2200, s7;
	s8 =	smax.u32 s10, $0x1;
	s10 =	simm.s32 $0x1  }
0xe: {  	v0 =	vsel vm0, $0x3F800000, v0;
	s7 =	sadd.s32 $0xC200, s9;
	s9 =	simm.s32 $0x3000;
	s14 =	sshrl.u32 s5, $0x3  }
.LBB2_1:
0xf: {  	s15 =	simm.s32 $0x40;
	s16 =	simm.s32 $0x0  }
.LBB2_2:
0x10: {  	p0 =	sne.s32 s15, $0x1FC0;
	[tilespmem:s16+$0x2800] =	vst v0;
	s16 =	smov.u32 s15;
	s15 =	sadd.s32 $0x40, s15  }
.Ltmp0:
0x11: {  	(pc) =	sbr.rel @p0 .LBB2_2-.Ltmp0, $2  }
0x12: {  	_ =	sdelay $0x2  }
0x13: {  	s16 =	sshra.s32 s16, $0x2  }
0x14: {  	[tilespmem:s16+$0x2800] =	vst v0;
	s15 =	simm.s32 $0x0  }
0x15: {  	[tilespmem:s9], [sflag:$0x1] =	stream.linear.gather [hbm4b:s4+s15], $0x2780, $0x38;
	[tilespmem:$0x7F00] =	vst v63  }
0x16: {  	_ =	swait.ge [sflag:s10], $0x2780  }
0x17: {  	[sflag:s10] =	ssyncset.done $0x0  }
0x18: {  	[sflag:s10] =	ssyncadd.s32 $0xFFFFD880  }
0x19: {  	[spmem:s5] =	stream.linear.scatter [tilespmem:s9], [sflag:$0x1], $0x2780, $0x38;
	[tilespmem:$0x7F00] =	vst v63  }
0x1a: {  	_ =	swait.ge [sflag:s10], $0x2780  }
0x1b: {  	[sflag:s10] =	ssyncset.done $0x0  }
0x1c: {  	[sflag:s10] =	ssyncadd.s32 $0xFFFFD880  }
0x1d: {  	[tilespmem:s15], [sflag:$0x1] =	stream.linear.gather [hbm4b:s6+s15], $0x2800, $0x38;
	[tilespmem:$0x7F00] =	vst v63  }
0x1e: {  	_ =	swait.ge [sflag:s10], $0x2800  }
0x1f: {  	[sflag:s10] =	ssyncset.done $0x0  }
0x20: {  	[sflag:s10] =	ssyncadd.s32 $0xFFFFD800  }
0x21: {  	s31 =	simm.s32 $0x0;
	[bflag:$0x0] =	sbarrier.arrive $0xFFFF  }
0x22: {  	[spmem:s2] =	stream.indirect.scatter.add.f32 [tilespmem:s12], [sflag:$0x1], $0x10, s31, s11, $0xb8;
	[tilespmem:$0x7F00] =	vst v63  }
0x23: {  	_ =	swait.ge [sflag:s10], $0x800  }
0x24: {  	s15 =	simm.s32 $0x200;
	[sflag:s10] =	ssyncset.done $0x0  }
.LBB2_4:
0x25: {  	s16 =	sshra.s32 s15, $0x2;
	[sflag:s10] =	ssyncadd.s32 $0xFFFFF800;
	p0 =	sne.s32 s15, $0x9E00  }
0x26: {  	[spmem:s2] =	stream.indirect.scatter.add.f32 [tilespmem:s12], [sflag:$0x1], $0x10, s16, s11, $0xb8;
	[tilespmem:$0x7F00] =	vst v63  }
.Ltmp1:
0x27: {  	_ = 	snop;
	(pc) =	sbr.rel @p0 .LBB2_4-.Ltmp1, $4  }
0x28: {  	_ = 	snop  }
0x29: {  	s15 =	sadd.s32 $0x200, s15  }
0x2a: {  	_ =	swait.ge [sflag:s10], $0x800  }
0x2b: {  	[sflag:s10] =	ssyncset.done $0x0  }
0x2c: {  	s3 =	sadd.s32 $0x1, s3  }
0x2d: {  	[sflag:s10] =	ssyncadd.s32 $0xFFFFF800;
	p0 =	sne.s32 s3, s8  }
.Ltmp2:
0x2e: {  	[bflag:$0x0] =	sbarrier.arrive $0xFFFF;
	(pc) =	sbr.rel @p0 .LBB2_1-.Ltmp2, $4  }
0x2f: {  	[hbm:s7], [sflag:s13] =	dma.local [spmem:s14], $0x4F0  }
0x30: {  	_ =	swait.ge [sflag:s10], $0x4F0  }
0x31: {  	[sflag:s10] =	ssyncset.done $0x0  }
0x32: {  	[sflag:s10] =	ssyncadd.s32 $0xFFFFFB10  }
0x33: {  	_ =	sfence.sel $0x180000  }
0x34: {  	[bflag:$0x0] =	sbarrier.arrive $0xFFFF  }
0x35: {  	p0 =	sne.s32 s1, $0x0;
	_ =	strace $0x90000047  }
0x36: {  	s0 =	sadd.s32 @!p0 $0x100000, s0;
	[bflag:$0x2] =	sbarrier.arrive $0xFFFF  }
0x37: {  	[sflag:s0] =	ssyncadd.tile.s32 @!p0 $0x1;
	_ =	shalt  }
.Lfunc_end2:
_tile_overlayer_lowered:
.L_overlay_start_2:
0x38: {  	(tag) =	ssettag $0x2  }
0x39: {  	s0 =	rddreg [dreg:$0x0];
	s2 =	stileid.u32  }
0x3a: {  	s1 =	rddreg [dreg:$0x1];
	p0 =	sne.s32 s2, $0x0  }
0x3b: {  	s3 =	rddreg [dreg:$0x2];
	[bflag:$0x3] =	sbarrier.arrive $0xFFFF;
	s2 =	simm.s32 @!p0 $0x1C01  }
0x3c: {  	[timem:s3], [sflag:s2] =	dma.local @!p0 [hbm:s0], s1  }
0x3d: {  	s0 =	simm.s32 @!p0 $0x1  }
0x3e: {  	_ =	swait.ge @!p0 [sflag:s0], s1  }
0x3f: {  	s1 =	ssub.s32 @!p0 $0x0, s1;
	[sflag:s0] =	ssyncset.done @!p0 $0x0  }
0x40: {  	[sflag:s0] =	ssyncadd.s32 @!p0 s1  }
0x41: {  	[bflag:$0x3] =	sbarrier.arrive $0xFFFF  }
0x42: {  	_ =	shalt  }

</sc_bundles>
